<compile_context>
chip_gen: v7x
topology: tpu7x:2x2x1
jax: 0.10.2.dev20260603
libtpu: 0.0.44.dev20260713+nightly
codegen_flags: <defaults>
</compile_context>

<pallas_src>
import functools

import jax
import jax.numpy as jnp
from jax import lax
from jax.experimental import pallas as pl
from jax.experimental.pallas import tpu as pltpu
from jax.experimental.pallas import tpu_sc as plsc

N = 2048
DIM = 128
MDIM = 16
K = 3
PWM = 20
EIN = 2 * DIM + 1
H1 = 2 * EIN
BR = 512
NBLK = N // BR
BRL = 1024
NBLKL = N // BRL


def _silu(x):
    return x * (0.5 * jnp.tanh(0.5 * x) + 0.5)



def _knn_body(c_ref, ct_ref, idx_ref, dsel_ref):
    cr = c_ref[...]
    ct = ct_ref[...]
    acc = None
    for d in range(3):
        diff = cr[:, d:d + 1] - ct[d:d + 1, :]
        sq = diff * diff
        acc = sq if acc is None else acc + sq
    col = lax.broadcasted_iota(jnp.int32, (BR, N), 1)
    dist = acc
    idxs = []
    vals = []
    for t in range(K):
        m = jnp.min(dist, axis=1, keepdims=True)
        am = jnp.min(jnp.where(dist == m, col, N), axis=1,
                     keepdims=True)
        vals.append(m)
        idxs.append(am)
        if t + 1 < K:
            dist = jnp.where(col == am, jnp.inf, dist)
    idx_ref[...] = jnp.concatenate(idxs, axis=1).T
    dsel_ref[...] = jnp.concatenate(vals, axis=1).T


def _knn(c, ct):
    return pl.pallas_call(
        _knn_body,
        grid=(NBLK,),
        in_specs=[
            pl.BlockSpec((BR, 3), lambda b: (b, 0)),
            pl.BlockSpec((3, N), lambda b: (0, 0)),
        ],
        out_specs=[
            pl.BlockSpec((K, BR), lambda b: (0, b)),
            pl.BlockSpec((K, BR), lambda b: (0, b)),
        ],
        out_shape=[
            jax.ShapeDtypeStruct((K, N), jnp.int32),
            jax.ShapeDtypeStruct((K, N), jnp.float32),
        ],
    )(c, ct)



def _make_sc_gather():
    info = plsc.get_sparse_core_info()
    nc, ns = info.num_cores, info.num_subcores
    nw = nc * ns
    b_total = K * N
    b_per_w = b_total // nw
    mesh = plsc.VectorSubcoreMesh(core_axis_name="c", subcore_axis_name="s")

    @functools.partial(
        pl.kernel,
        mesh=mesh,
        out_type=jax.ShapeDtypeStruct((b_total, DIM), jnp.float32),
        scratch_types=[
            pltpu.VMEM((b_per_w,), jnp.int32),
            pltpu.VMEM((b_per_w, DIM), jnp.float32),
            pltpu.SemaphoreType.DMA,
        ],
    )
    def gather(table_hbm, idx_hbm, out_hbm, idx_v, rows_v, sem):
        wid = lax.axis_index("s") * nc + lax.axis_index("c")
        base = wid * b_per_w
        pltpu.sync_copy(idx_hbm.at[pl.ds(base, b_per_w)], idx_v)
        pltpu.async_copy(table_hbm.at[idx_v], rows_v, sem).wait()
        pltpu.sync_copy(rows_v, out_hbm.at[pl.ds(base, b_per_w)])

    return gather


_SC_GATHER_CACHE = []


def _gather_sc(table, idx):
    if not _SC_GATHER_CACHE:
        _SC_GATHER_CACHE.append(_make_sc_gather())
    return _SC_GATHER_CACHE[0](table, idx)



def _layer_compute(f_ref, fj_ref, dsel_ref, ew1_ref, eb1_ref, ew2_ref,
                   eb2_ref, nw1_ref, nb1_ref, nw2_ref, nb2_ref):
    f = f_ref[...]
    wa = ew1_ref[0:DIM]
    wb = ew1_ref[DIM:2 * DIM]
    wd = ew1_ref[2 * DIM:2 * DIM + 1]
    ua = (jnp.dot(f, wa, preferred_element_type=jnp.float32)
          + eb1_ref[...][None, :])
    mi = jnp.zeros((BRL, MDIM), jnp.float32)
    for k in range(K):
        z = (ua
             + jnp.dot(fj_ref[k], wb, preferred_element_type=jnp.float32)
             + dsel_ref[k] * wd)
        m = _silu(z)
        mi = mi + _silu(jnp.dot(m, ew2_ref[...],
                                preferred_element_type=jnp.float32)
                        + eb2_ref[...][None, :])
    h = _silu(jnp.dot(f, nw1_ref[0:DIM], preferred_element_type=jnp.float32)
              + jnp.dot(mi, nw1_ref[DIM:DIM + MDIM],
                        preferred_element_type=jnp.float32)
              + nb1_ref[...][None, :])
    return f + jnp.dot(h, nw2_ref[...],
                       preferred_element_type=jnp.float32) \
        + nb2_ref[...][None, :]


def _layer_body(f_ref, fj_ref, dsel_ref, ew1_ref, eb1_ref, ew2_ref, eb2_ref,
                nw1_ref, nb1_ref, nw2_ref, nb2_ref, out_ref):
    out_ref[...] = _layer_compute(f_ref, fj_ref, dsel_ref, ew1_ref, eb1_ref,
                                  ew2_ref, eb2_ref, nw1_ref, nb1_ref,
                                  nw2_ref, nb2_ref)


def _layer_final_body(f_ref, fj_ref, dsel_ref, ew1_ref, eb1_ref, ew2_ref,
                      eb2_ref, nw1_ref, nb1_ref, nw2_ref, nb2_ref,
                      lw_ref, lb_ref, out_ref):
    fnew = _layer_compute(f_ref, fj_ref, dsel_ref, ew1_ref, eb1_ref,
                          ew2_ref, eb2_ref, nw1_ref, nb1_ref,
                          nw2_ref, nb2_ref)
    out_ref[...] = jnp.dot(fnew, lw_ref[...],
                           preferred_element_type=jnp.float32) \
        + lb_ref[...][None, :]


def _layer_specs():
    def full(shape):
        nzero = len(shape)
        return pl.BlockSpec(shape, lambda b, _n=nzero: (0,) * _n)
    return [
        pl.BlockSpec((BRL, DIM), lambda b: (b, 0)),
        pl.BlockSpec((K, BRL, DIM), lambda b: (0, b, 0)),
        pl.BlockSpec((K, BRL, 1), lambda b: (0, b, 0)),
        full((EIN, H1)),
        full((H1,)),
        full((H1, MDIM)),
        full((MDIM,)),
        full((DIM + MDIM, 2 * DIM)),
        full((2 * DIM,)),
        full((2 * DIM, DIM)),
        full((DIM,)),
    ]


def _layer(f, fj, dsel3, p):
    return pl.pallas_call(
        _layer_body,
        grid=(NBLKL,),
        in_specs=_layer_specs(),
        out_specs=pl.BlockSpec((BRL, DIM), lambda b: (b, 0)),
        out_shape=jax.ShapeDtypeStruct((N, DIM), jnp.float32),
    )(f, fj, dsel3, p['eW1'], p['eb1'], p['eW2'], p['eb2'],
      p['nW1'], p['nb1'], p['nW2'], p['nb2'])


def _layer_final(f, fj, dsel3, p, lw, lb):
    def full(shape):
        nzero = len(shape)
        return pl.BlockSpec(shape, lambda b, _n=nzero: (0,) * _n)
    return pl.pallas_call(
        _layer_final_body,
        grid=(NBLKL,),
        in_specs=_layer_specs() + [full((DIM, PWM)), full((PWM,))],
        out_specs=pl.BlockSpec((BRL, PWM), lambda b: (b, 0)),
        out_shape=jax.ShapeDtypeStruct((N, PWM), jnp.float32),
    )(f, fj, dsel3, p['eW1'], p['eb1'], p['eW2'], p['eb2'],
      p['nW1'], p['nb1'], p['nW2'], p['nb2'], lw, lb)



def kernel(feats, coords, params):
    f = feats[0]
    c = coords[0]
    ct = c.T

    idx, dsel = _knn(c, ct)
    idx_flat = idx.reshape(-1)
    dsel3 = dsel[:, :, None]

    layers = params['layers']
    for p in layers[:-1]:
        fj = _gather_sc(f, idx_flat).reshape(K, N, DIM)
        f = _layer(f, fj, dsel3, p)
    fj = _gather_sc(f, idx_flat).reshape(K, N, DIM)
    out = _layer_final(f, fj, dsel3, layers[-1],
                       params['lin']['W'], params['lin']['b'])
    return out[None]

# --- scband reference (transcript-rebuilt; emitter-appended) ---
"""Pipeline reference for scband-egnn-model-71837622993434 (READ-ONLY COPY).

The authoritative reference and input builder live on the scoring server;
editing this copy changes nothing except your own understanding.
"""

import jax, jax.numpy as jnp
import numpy as np

B = 1
N = 2048
DIM = 128
MDIM = 16
K = 3
PWM = 20
EIN = 2 * DIM + 1


def _mk(key, shape, fan_in):
    return jax.random.normal(key, shape, dtype=jnp.float32) * (1.0 / fan_in) ** 0.5


def setup_inputs(seed: int = 0) -> dict:
    key = jax.random.key(seed)
    ks = jax.random.split(key, 20)
    feats = jax.random.normal(ks[0], (B, N, DIM), dtype=jnp.float32)
    coords = jax.random.normal(ks[1], (B, N, 3), dtype=jnp.float32)
    layers = []
    i = 2
    for l in range(3):
        p = {
            'eW1': _mk(ks[i], (EIN, EIN * 2), EIN),
            'eb1': jnp.zeros((EIN * 2,), jnp.float32),
            'eW2': _mk(ks[i + 1], (EIN * 2, MDIM), EIN * 2),
            'eb2': jnp.zeros((MDIM,), jnp.float32),
            'nW1': _mk(ks[i + 2], (DIM + MDIM, DIM * 2), DIM + MDIM),
            'nb1': jnp.zeros((DIM * 2,), jnp.float32),
            'nW2': _mk(ks[i + 3], (DIM * 2, DIM), DIM * 2),
            'nb2': jnp.zeros((DIM,), jnp.float32),
        }
        layers.append(p)
        i += 4
    lin = {'W': _mk(ks[i], (DIM, PWM), DIM), 'b': jnp.zeros((PWM,), jnp.float32)}
    return {'feats': feats, 'coords': coords, 'params': {'layers': layers, 'lin': lin}}


def _silu(x):
    return x * jax.nn.sigmoid(x)


def _egnn_layer(feats, coors, p):
    # pairwise relative coords / squared distances (b, n, n)
    rel = coors[:, :, None, :] - coors[:, None, :, :]
    dist = jnp.sum(rel * rel, axis=-1)
    # k nearest neighbors (smallest squared distance; self included, dist 0)
    _, idx = jax.lax.top_k(-dist, K)  # (b, n, k)
    dist_sel = jnp.take_along_axis(dist, idx, axis=-1)[..., None]  # (b, n, k, 1)

    def gather(f, ix):
        return f[ix]  # f: (n, d), ix: (n, k) -> (n, k, d)

    feats_j = jax.vmap(gather)(feats, idx)  # (b, n, k, d)
    feats_i = jnp.broadcast_to(feats[:, :, None, :], feats_j.shape)
    edge_in = jnp.concatenate([feats_i, feats_j, dist_sel], axis=-1)  # (b, n, k, 2d+1)
    m = _silu(edge_in @ p['eW1'] + p['eb1'])
    m_ij = _silu(m @ p['eW2'] + p['eb2'])  # (b, n, k, m_dim)
    m_i = jnp.sum(m_ij, axis=-2)  # sum pooling over neighbors
    node_in = jnp.concatenate([feats, m_i], axis=-1)
    h = _silu(node_in @ p['nW1'] + p['nb1'])
    h = h @ p['nW2'] + p['nb2']
    # update_coors=False: coordinates pass through unchanged
    return feats + h, coors


def reference(feats, coords, params):
    for p in params['layers']:
        feats, coords = _egnn_layer(feats, coords, p)
    pooled = jnp.mean(feats, axis=0, keepdims=True)  # (1, n, dim)
    out = pooled @ params['lin']['W'] + params['lin']['b']  # (1, n, pwm_length)
    return out

if __name__ == "__main__":
    import jax
    _d = setup_inputs()
    print(jax.jit(kernel)(*tuple(_d.values())))

</pallas_src>

<mosaic_0001>
#map = affine_map<(d0, d1) -> (0, 0)>
#map1 = affine_map<(d0, d1) -> (0)>
module attributes {stable_mosaic.version = 14 : i64} {
  func.func @gather(%arg0: i32, %arg1: i32, %arg2: memref<2048x128xf32, #tpu.memory_space<hbm>>, %arg3: memref<6144xi32, #tpu.memory_space<hbm>>, %arg4: memref<6144x128xf32, #tpu.memory_space<hbm>>, %arg5: memref<192xi32, #tpu.memory_space<vmem>>, %arg6: memref<192x128xf32, #tpu.memory_space<vmem>>, %arg7: memref<!tpu.dma_semaphore, #tpu.memory_space<semaphore_mem>>) attributes {dimension_semantics = [#tpu.dimension_semantics<core_parallel>, #tpu.dimension_semantics<subcore_parallel>], iteration_bounds = array<i64: 2, 16>, scalar_prefetch = 0 : i64, scratch_operands = 3 : i64, tpu.core_type = #tpu.core_type<sc_vector_subcore>, window_params = [{transform_indices = #map}, {transform_indices = #map1}, {transform_indices = #map}]} {
    %mul3A = arith.constant 2 : i32
    %mul3A_0 = arith.muli %arg1, %mul3A : i32
    %add3A = arith.addi %mul3A_0, %arg0 : i32
    %mul3A_1 = arith.constant 192 : i32
    %mul3A_2 = arith.muli %add3A, %mul3A_1 : i32
    "tpu.region"() ({
      %run_scoped3A = tpu.sem_alloc : memref<!tpu.dma_semaphore, #tpu.memory_space<semaphore_mem>>
      %dma_start3A_7 = tpu.memref_slice %arg3[%mul3A_2] : memref<6144xi32, #tpu.memory_space<hbm>> -> memref<192xi32, #tpu.memory_space<hbm>>
      %dma_start3A_8 = tpu.memref_slice %arg3[%mul3A_2] : memref<6144xi32, #tpu.memory_space<hbm>> -> memref<192xi32, #tpu.memory_space<hbm>>
      tpu.enqueue_dma source(%dma_start3A_8 : memref<192xi32, #tpu.memory_space<hbm>>) target(%arg5 : memref<192xi32, #tpu.memory_space<vmem>>) target_semaphore(%run_scoped3A : memref<!tpu.dma_semaphore, #tpu.memory_space<semaphore_mem>>)
      %dma_wait3A_9 = tpu.memref_slice %arg3[%mul3A_2] : memref<6144xi32, #tpu.memory_space<hbm>> -> memref<192xi32, #tpu.memory_space<hbm>>
      %dma_wait3A_10 = tpu.memref_slice %arg3[%mul3A_2] : memref<6144xi32, #tpu.memory_space<hbm>> -> memref<192xi32, #tpu.memory_space<hbm>>
      tpu.wait_dma2 semaphore(%run_scoped3A : memref<!tpu.dma_semaphore, #tpu.memory_space<semaphore_mem>>) src(%dma_wait3A_10 : memref<192xi32, #tpu.memory_space<hbm>>) dst(%arg5 : memref<192xi32, #tpu.memory_space<vmem>>)
      tpu.yield
    }) : () -> ()
    %dma_start3A = arith.constant 0 : i32
    %dma_start3A_3 = arith.constant 0 : i32
    %dma_start3A_4 = tpu.memref_slice %arg2[%dma_start3A, %dma_start3A_3] : memref<2048x128xf32, #tpu.memory_space<hbm>> -> memref<2048x128xf32, #tpu.memory_space<hbm>>
    tpu.enqueue_indirect_dma source(%dma_start3A_4 : memref<2048x128xf32, #tpu.memory_space<hbm>>) target(%arg6 : memref<192x128xf32, #tpu.memory_space<vmem>>) offsets(%arg5 : memref<192xi32, #tpu.memory_space<vmem>>) semaphore(%arg7 : memref<!tpu.dma_semaphore, #tpu.memory_space<semaphore_mem>>)
    %dma_wait3A = arith.constant 0 : i32
    %dma_wait3A_5 = arith.constant 0 : i32
    %dma_wait3A_6 = tpu.memref_slice %arg2[%dma_wait3A, %dma_wait3A_5] : memref<2048x128xf32, #tpu.memory_space<hbm>> -> memref<2048x128xf32, #tpu.memory_space<hbm>>
    tpu.wait_indirect_dma semaphore(%arg7 : memref<!tpu.dma_semaphore, #tpu.memory_space<semaphore_mem>>) src(%dma_wait3A_6 : memref<2048x128xf32, #tpu.memory_space<hbm>>) dst(%arg6 : memref<192x128xf32, #tpu.memory_space<vmem>>)
    "tpu.region"() ({
      %run_scoped3A = tpu.sem_alloc : memref<!tpu.dma_semaphore, #tpu.memory_space<semaphore_mem>>
      %dma_start3A_7 = arith.constant 0 : i32
      %dma_start3A_8 = tpu.memref_slice %arg4[%mul3A_2, %dma_start3A_7] : memref<6144x128xf32, #tpu.memory_space<hbm>> -> memref<192x128xf32, #tpu.memory_space<hbm>>
      %dma_start3A_9 = arith.constant 0 : i32
      %dma_start3A_10 = tpu.memref_slice %arg4[%mul3A_2, %dma_start3A_9] : memref<6144x128xf32, #tpu.memory_space<hbm>> -> memref<192x128xf32, #tpu.memory_space<hbm>>
      tpu.enqueue_dma source(%arg6 : memref<192x128xf32, #tpu.memory_space<vmem>>) target(%dma_start3A_10 : memref<192x128xf32, #tpu.memory_space<hbm>>) target_semaphore(%run_scoped3A : memref<!tpu.dma_semaphore, #tpu.memory_space<semaphore_mem>>)
      %dma_wait3A_11 = arith.constant 0 : i32
      %dma_wait3A_12 = tpu.memref_slice %arg4[%mul3A_2, %dma_wait3A_11] : memref<6144x128xf32, #tpu.memory_space<hbm>> -> memref<192x128xf32, #tpu.memory_space<hbm>>
      %dma_wait3A_13 = arith.constant 0 : i32
      %dma_wait3A_14 = tpu.memref_slice %arg4[%mul3A_2, %dma_wait3A_13] : memref<6144x128xf32, #tpu.memory_space<hbm>> -> memref<192x128xf32, #tpu.memory_space<hbm>>
      tpu.wait_dma2 semaphore(%run_scoped3A : memref<!tpu.dma_semaphore, #tpu.memory_space<semaphore_mem>>) src(%arg6 : memref<192x128xf32, #tpu.memory_space<vmem>>) dst(%dma_wait3A_14 : memref<192x128xf32, #tpu.memory_space<hbm>>)
      tpu.yield
    }) : () -> ()
    return
  }
}

#map = affine_map<(d0, d1) -> (0, 0)>
#map1 = affine_map<(d0, d1) -> (0)>
module attributes {stable_mosaic.version = 14 : i64} {
  func.func @gather(%arg0: i32, %arg1: i32, %arg2: memref<2048x128xf32, #tpu.memory_space<hbm>>, %arg3: memref<6144xi32, #tpu.memory_space<hbm>>, %arg4: memref<6144x128xf32, #tpu.memory_space<hbm>>, %arg5: memref<192xi32, #tpu.memory_space<vmem>>, %arg6: memref<192x128xf32, #tpu.memory_space<vmem>>, %arg7: memref<!tpu.dma_semaphore, #tpu.memory_space<semaphore_mem>>) attributes {dimension_semantics = [#tpu.dimension_semantics<core_parallel>, #tpu.dimension_semantics<subcore_parallel>], iteration_bounds = array<i64: 2, 16>, scalar_prefetch = 0 : i64, scratch_operands = 3 : i64, tpu.core_type = #tpu.core_type<sc_vector_subcore>, window_params = [{transform_indices = #map}, {transform_indices = #map1}, {transform_indices = #map}]} {
    %mul3A = arith.constant 2 : i32
    %mul3A_0 = arith.muli %arg1, %mul3A : i32
    %add3A = arith.addi %mul3A_0, %arg0 : i32
    %mul3A_1 = arith.constant 192 : i32
    %mul3A_2 = arith.muli %add3A, %mul3A_1 : i32
    "tpu.region"() ({
      %run_scoped3A = tpu.sem_alloc : memref<!tpu.dma_semaphore, #tpu.memory_space<semaphore_mem>>
      %dma_start3A_7 = tpu.memref_slice %arg3[%mul3A_2] : memref<6144xi32, #tpu.memory_space<hbm>> -> memref<192xi32, #tpu.memory_space<hbm>>
      %dma_start3A_8 = tpu.memref_slice %arg3[%mul3A_2] : memref<6144xi32, #tpu.memory_space<hbm>> -> memref<192xi32, #tpu.memory_space<hbm>>
      tpu.enqueue_dma source(%dma_start3A_8 : memref<192xi32, #tpu.memory_space<hbm>>) target(%arg5 : memref<192xi32, #tpu.memory_space<vmem>>) target_semaphore(%run_scoped3A : memref<!tpu.dma_semaphore, #tpu.memory_space<semaphore_mem>>)
      %dma_wait3A_9 = tpu.memref_slice %arg3[%mul3A_2] : memref<6144xi32, #tpu.memory_space<hbm>> -> memref<192xi32, #tpu.memory_space<hbm>>
      %dma_wait3A_10 = tpu.memref_slice %arg3[%mul3A_2] : memref<6144xi32, #tpu.memory_space<hbm>> -> memref<192xi32, #tpu.memory_space<hbm>>
      tpu.wait_dma2 semaphore(%run_scoped3A : memref<!tpu.dma_semaphore, #tpu.memory_space<semaphore_mem>>) src(%dma_wait3A_10 : memref<192xi32, #tpu.memory_space<hbm>>) dst(%arg5 : memref<192xi32, #tpu.memory_space<vmem>>)
      tpu.yield
    }) : () -> ()
    %dma_start3A = arith.constant 0 : i32
    %dma_start3A_3 = arith.constant 0 : i32
    %dma_start3A_4 = tpu.memref_slice %arg2[%dma_start3A, %dma_start3A_3] : memref<2048x128xf32, #tpu.memory_space<hbm>> -> memref<2048x128xf32, #tpu.memory_space<hbm>>
    tpu.enqueue_indirect_dma source(%dma_start3A_4 : memref<2048x128xf32, #tpu.memory_space<hbm>>) target(%arg6 : memref<192x128xf32, #tpu.memory_space<vmem>>) offsets(%arg5 : memref<192xi32, #tpu.memory_space<vmem>>) semaphore(%arg7 : memref<!tpu.dma_semaphore, #tpu.memory_space<semaphore_mem>>)
    %dma_wait3A = arith.constant 0 : i32
    %dma_wait3A_5 = arith.constant 0 : i32
    %dma_wait3A_6 = tpu.memref_slice %arg2[%dma_wait3A, %dma_wait3A_5] : memref<2048x128xf32, #tpu.memory_space<hbm>> -> memref<2048x128xf32, #tpu.memory_space<hbm>>
    tpu.wait_indirect_dma semaphore(%arg7 : memref<!tpu.dma_semaphore, #tpu.memory_space<semaphore_mem>>) src(%dma_wait3A_6 : memref<2048x128xf32, #tpu.memory_space<hbm>>) dst(%arg6 : memref<192x128xf32, #tpu.memory_space<vmem>>)
    "tpu.region"() ({
      %run_scoped3A = tpu.sem_alloc : memref<!tpu.dma_semaphore, #tpu.memory_space<semaphore_mem>>
      %dma_start3A_7 = arith.constant 0 : i32
      %dma_start3A_8 = tpu.memref_slice %arg4[%mul3A_2, %dma_start3A_7] : memref<6144x128xf32, #tpu.memory_space<hbm>> -> memref<192x128xf32, #tpu.memory_space<hbm>>
      %dma_start3A_9 = arith.constant 0 : i32
      %dma_start3A_10 = tpu.memref_slice %arg4[%mul3A_2, %dma_start3A_9] : memref<6144x128xf32, #tpu.memory_space<hbm>> -> memref<192x128xf32, #tpu.memory_space<hbm>>
      tpu.enqueue_dma source(%arg6 : memref<192x128xf32, #tpu.memory_space<vmem>>) target(%dma_start3A_10 : memref<192x128xf32, #tpu.memory_space<hbm>>) target_semaphore(%run_scoped3A : memref<!tpu.dma_semaphore, #tpu.memory_space<semaphore_mem>>)
      %dma_wait3A_11 = arith.constant 0 : i32
      %dma_wait3A_12 = tpu.memref_slice %arg4[%mul3A_2, %dma_wait3A_11] : memref<6144x128xf32, #tpu.memory_space<hbm>> -> memref<192x128xf32, #tpu.memory_space<hbm>>
      %dma_wait3A_13 = arith.constant 0 : i32
      %dma_wait3A_14 = tpu.memref_slice %arg4[%mul3A_2, %dma_wait3A_13] : memref<6144x128xf32, #tpu.memory_space<hbm>> -> memref<192x128xf32, #tpu.memory_space<hbm>>
      tpu.wait_dma2 semaphore(%run_scoped3A : memref<!tpu.dma_semaphore, #tpu.memory_space<semaphore_mem>>) src(%arg6 : memref<192x128xf32, #tpu.memory_space<vmem>>) dst(%dma_wait3A_14 : memref<192x128xf32, #tpu.memory_space<hbm>>)
      tpu.yield
    }) : () -> ()
    return
  }
}

#map = affine_map<(d0, d1) -> (0, 0)>
#map1 = affine_map<(d0, d1) -> (0)>
module attributes {stable_mosaic.version = 14 : i64} {
  func.func @gather(%arg0: i32, %arg1: i32, %arg2: memref<2048x128xf32, #tpu.memory_space<hbm>>, %arg3: memref<6144xi32, #tpu.memory_space<hbm>>, %arg4: memref<6144x128xf32, #tpu.memory_space<hbm>>, %arg5: memref<192xi32, #tpu.memory_space<vmem>>, %arg6: memref<192x128xf32, #tpu.memory_space<vmem>>, %arg7: memref<!tpu.dma_semaphore, #tpu.memory_space<semaphore_mem>>) attributes {dimension_semantics = [#tpu.dimension_semantics<core_parallel>, #tpu.dimension_semantics<subcore_parallel>], iteration_bounds = array<i64: 2, 16>, scalar_prefetch = 0 : i64, scratch_operands = 3 : i64, tpu.core_type = #tpu.core_type<sc_vector_subcore>, window_params = [{transform_indices = #map}, {transform_indices = #map1}, {transform_indices = #map}]} {
    %mul3A = arith.constant 2 : i32
    %mul3A_0 = arith.muli %arg1, %mul3A : i32
    %add3A = arith.addi %mul3A_0, %arg0 : i32
    %mul3A_1 = arith.constant 192 : i32
    %mul3A_2 = arith.muli %add3A, %mul3A_1 : i32
    "tpu.region"() ({
      %run_scoped3A = tpu.sem_alloc : memref<!tpu.dma_semaphore, #tpu.memory_space<semaphore_mem>>
      %dma_start3A_7 = tpu.memref_slice %arg3[%mul3A_2] : memref<6144xi32, #tpu.memory_space<hbm>> -> memref<192xi32, #tpu.memory_space<hbm>>
      %dma_start3A_8 = tpu.memref_slice %arg3[%mul3A_2] : memref<6144xi32, #tpu.memory_space<hbm>> -> memref<192xi32, #tpu.memory_space<hbm>>
      tpu.enqueue_dma source(%dma_start3A_8 : memref<192xi32, #tpu.memory_space<hbm>>) target(%arg5 : memref<192xi32, #tpu.memory_space<vmem>>) target_semaphore(%run_scoped3A : memref<!tpu.dma_semaphore, #tpu.memory_space<semaphore_mem>>)
      %dma_wait3A_9 = tpu.memref_slice %arg3[%mul3A_2] : memref<6144xi32, #tpu.memory_space<hbm>> -> memref<192xi32, #tpu.memory_space<hbm>>
      %dma_wait3A_10 = tpu.memref_slice %arg3[%mul3A_2] : memref<6144xi32, #tpu.memory_space<hbm>> -> memref<192xi32, #tpu.memory_space<hbm>>
      tpu.wait_dma2 semaphore(%run_scoped3A : memref<!tpu.dma_semaphore, #tpu.memory_space<semaphore_mem>>) src(%dma_wait3A_10 : memref<192xi32, #tpu.memory_space<hbm>>) dst(%arg5 : memref<192xi32, #tpu.memory_space<vmem>>)
      tpu.yield
    }) : () -> ()
    %dma_start3A = arith.constant 0 : i32
    %dma_start3A_3 = arith.constant 0 : i32
    %dma_start3A_4 = tpu.memref_slice %arg2[%dma_start3A, %dma_start3A_3] : memref<2048x128xf32, #tpu.memory_space<hbm>> -> memref<2048x128xf32, #tpu.memory_space<hbm>>
    tpu.enqueue_indirect_dma source(%dma_start3A_4 : memref<2048x128xf32, #tpu.memory_space<hbm>>) target(%arg6 : memref<192x128xf32, #tpu.memory_space<vmem>>) offsets(%arg5 : memref<192xi32, #tpu.memory_space<vmem>>) semaphore(%arg7 : memref<!tpu.dma_semaphore, #tpu.memory_space<semaphore_mem>>)
    %dma_wait3A = arith.constant 0 : i32
    %dma_wait3A_5 = arith.constant 0 : i32
    %dma_wait3A_6 = tpu.memref_slice %arg2[%dma_wait3A, %dma_wait3A_5] : memref<2048x128xf32, #tpu.memory_space<hbm>> -> memref<2048x128xf32, #tpu.memory_space<hbm>>
    tpu.wait_indirect_dma semaphore(%arg7 : memref<!tpu.dma_semaphore, #tpu.memory_space<semaphore_mem>>) src(%dma_wait3A_6 : memref<2048x128xf32, #tpu.memory_space<hbm>>) dst(%arg6 : memref<192x128xf32, #tpu.memory_space<vmem>>)
    "tpu.region"() ({
      %run_scoped3A = tpu.sem_alloc : memref<!tpu.dma_semaphore, #tpu.memory_space<semaphore_mem>>
      %dma_start3A_7 = arith.constant 0 : i32
      %dma_start3A_8 = tpu.memref_slice %arg4[%mul3A_2, %dma_start3A_7] : memref<6144x128xf32, #tpu.memory_space<hbm>> -> memref<192x128xf32, #tpu.memory_space<hbm>>
      %dma_start3A_9 = arith.constant 0 : i32
      %dma_start3A_10 = tpu.memref_slice %arg4[%mul3A_2, %dma_start3A_9] : memref<6144x128xf32, #tpu.memory_space<hbm>> -> memref<192x128xf32, #tpu.memory_space<hbm>>
      tpu.enqueue_dma source(%arg6 : memref<192x128xf32, #tpu.memory_space<vmem>>) target(%dma_start3A_10 : memref<192x128xf32, #tpu.memory_space<hbm>>) target_semaphore(%run_scoped3A : memref<!tpu.dma_semaphore, #tpu.memory_space<semaphore_mem>>)
      %dma_wait3A_11 = arith.constant 0 : i32
      %dma_wait3A_12 = tpu.memref_slice %arg4[%mul3A_2, %dma_wait3A_11] : memref<6144x128xf32, #tpu.memory_space<hbm>> -> memref<192x128xf32, #tpu.memory_space<hbm>>
      %dma_wait3A_13 = arith.constant 0 : i32
      %dma_wait3A_14 = tpu.memref_slice %arg4[%mul3A_2, %dma_wait3A_13] : memref<6144x128xf32, #tpu.memory_space<hbm>> -> memref<192x128xf32, #tpu.memory_space<hbm>>
      tpu.wait_dma2 semaphore(%run_scoped3A : memref<!tpu.dma_semaphore, #tpu.memory_space<semaphore_mem>>) src(%arg6 : memref<192x128xf32, #tpu.memory_space<vmem>>) dst(%dma_wait3A_14 : memref<192x128xf32, #tpu.memory_space<hbm>>)
      tpu.yield
    }) : () -> ()
    return
  }
}

module attributes {stable_mosaic.version = 14 : i64} {
  func.func @_knn_body(%arg0: i32, %arg1: memref<512x3xf32, #tpu.memory_space<vmem>>, %arg2: memref<3x2048xf32, #tpu.memory_space<vmem>>, %arg3: memref<3x512xi32, #tpu.memory_space<vmem>>, %arg4: memref<3x512xf32, #tpu.memory_space<vmem>>) attributes {dimension_semantics = [#tpu.dimension_semantics<arbitrary>], iteration_bounds = array<i64: 4>, scalar_prefetch = 0 : i64, scratch_operands = 0 : i64, tpu.core_type = #tpu.core_type<tc>, window_params = [{transform_indices = @transform_0, window_bounds = array<i64: 512, 3>}, {pipeline_mode = #tpu.pipeline_mode<synchronous>, transform_indices = @transform_1, window_bounds = array<i64: 3, 2048>}, {transform_indices = @transform_2, window_bounds = array<i64: 3, 512>}, {transform_indices = @transform_3, window_bounds = array<i64: 3, 512>}]} {
    %get3A = arith.constant 0 : index
    %get3A_0 = arith.constant 0 : index
    %get3A_1 = vector.load %arg1[%get3A, %get3A_0] : memref<512x3xf32, #tpu.memory_space<vmem>>, vector<512x3xf32>
    %get3A_2 = arith.constant 0 : index
    %get3A_3 = arith.constant 0 : index
    %get3A_4 = vector.load %arg2[%get3A_2, %get3A_3] : memref<3x2048xf32, #tpu.memory_space<vmem>>, vector<3x2048xf32>
    %slice3A = vector.extract_strided_slice %get3A_1 {offsets = [0, 0], sizes = [512, 1], strides = [1, 1]} : vector<512x3xf32> to vector<512x1xf32>
    %slice3A_5 = vector.extract_strided_slice %get3A_4 {offsets = [0, 0], sizes = [1, 2048], strides = [1, 1]} : vector<3x2048xf32> to vector<1x2048xf32>
    %sub3A = vector.broadcast %slice3A : vector<512x1xf32> to vector<512x2048xf32>
    %sub3A_6 = vector.broadcast %slice3A_5 : vector<1x2048xf32> to vector<512x2048xf32>
    %sub3A_7 = arith.subf %sub3A, %sub3A_6 : vector<512x2048xf32>
    %mul3A = arith.mulf %sub3A_7, %sub3A_7 : vector<512x2048xf32>
    %slice3A_8 = vector.extract_strided_slice %get3A_1 {offsets = [0, 1], sizes = [512, 1], strides = [1, 1]} : vector<512x3xf32> to vector<512x1xf32>
    %slice3A_9 = vector.extract_strided_slice %get3A_4 {offsets = [1, 0], sizes = [1, 2048], strides = [1, 1]} : vector<3x2048xf32> to vector<1x2048xf32>
    %sub3A_10 = vector.broadcast %slice3A_8 : vector<512x1xf32> to vector<512x2048xf32>
    %sub3A_11 = vector.broadcast %slice3A_9 : vector<1x2048xf32> to vector<512x2048xf32>
    %sub3A_12 = arith.subf %sub3A_10, %sub3A_11 : vector<512x2048xf32>
    %mul3A_13 = arith.mulf %sub3A_12, %sub3A_12 : vector<512x2048xf32>
    %add3A = arith.addf %mul3A, %mul3A_13 : vector<512x2048xf32>
    %slice3A_14 = vector.extract_strided_slice %get3A_1 {offsets = [0, 2], sizes = [512, 1], strides = [1, 1]} : vector<512x3xf32> to vector<512x1xf32>
    %slice3A_15 = vector.extract_strided_slice %get3A_4 {offsets = [2, 0], sizes = [1, 2048], strides = [1, 1]} : vector<3x2048xf32> to vector<1x2048xf32>
    %sub3A_16 = vector.broadcast %slice3A_14 : vector<512x1xf32> to vector<512x2048xf32>
    %sub3A_17 = vector.broadcast %slice3A_15 : vector<1x2048xf32> to vector<512x2048xf32>
    %sub3A_18 = arith.subf %sub3A_16, %sub3A_17 : vector<512x2048xf32>
    %mul3A_19 = arith.mulf %sub3A_18, %sub3A_18 : vector<512x2048xf32>
    %add3A_20 = arith.addf %add3A, %mul3A_19 : vector<512x2048xf32>
    %iota3A = tpu.iota {dimensions = array<i32: 1>} : vector<512x2048xi32>
    %reduce_min3A = arith.constant dense<0x7F800000> : vector<512xf32>
    %reduce_min3A_21 = vector.multi_reduction <minimumf>, %add3A_20, %reduce_min3A [1] : vector<512x2048xf32> to vector<512xf32>
    %broadcast_in_dim3A = vector.shape_cast %reduce_min3A_21 : vector<512xf32> to vector<512x1xf32>
    %eq3A = vector.broadcast %broadcast_in_dim3A : vector<512x1xf32> to vector<512x2048xf32>
    %eq3A_22 = arith.cmpf oeq, %add3A_20, %eq3A : vector<512x2048xf32>
    %jit3A = arith.constant 2048 : i32
    %broadcast_in_dim3A_23 = vector.broadcast %jit3A : i32 to vector<512x2048xi32>
    %select_n3A = arith.select %eq3A_22, %iota3A, %broadcast_in_dim3A_23 : vector<512x2048xi1>, vector<512x2048xi32>
    %reduce_min3A_24 = arith.constant dense<2147483647> : vector<512xi32>
    %reduce_min3A_25 = vector.multi_reduction <minsi>, %select_n3A, %reduce_min3A_24 [1] : vector<512x2048xi32> to vector<512xi32>
    %broadcast_in_dim3A_26 = vector.shape_cast %reduce_min3A_25 : vector<512xi32> to vector<512x1xi32>
    %eq3A_27 = vector.broadcast %broadcast_in_dim3A_26 : vector<512x1xi32> to vector<512x2048xi32>
    %eq3A_28 = arith.cmpi eq, %iota3A, %eq3A_27 : vector<512x2048xi32>
    %jit3A_29 = arith.constant 0x7F800000 : f32
    %broadcast_in_dim3A_30 = vector.broadcast %jit3A_29 : f32 to vector<512x2048xf32>
    %select_n3A_31 = arith.select %eq3A_28, %broadcast_in_dim3A_30, %add3A_20 : vector<512x2048xi1>, vector<512x2048xf32>
    %reduce_min3A_32 = arith.constant dense<0x7F800000> : vector<512xf32>
    %reduce_min3A_33 = vector.multi_reduction <minimumf>, %select_n3A_31, %reduce_min3A_32 [1] : vector<512x2048xf32> to vector<512xf32>
    %broadcast_in_dim3A_34 = vector.shape_cast %reduce_min3A_33 : vector<512xf32> to vector<512x1xf32>
    %eq3A_35 = vector.broadcast %broadcast_in_dim3A_34 : vector<512x1xf32> to vector<512x2048xf32>
    %eq3A_36 = arith.cmpf oeq, %select_n3A_31, %eq3A_35 : vector<512x2048xf32>
    %jit3A_37 = arith.constant 2048 : i32
    %broadcast_in_dim3A_38 = vector.broadcast %jit3A_37 : i32 to vector<512x2048xi32>
    %select_n3A_39 = arith.select %eq3A_36, %iota3A, %broadcast_in_dim3A_38 : vector<512x2048xi1>, vector<512x2048xi32>
    %reduce_min3A_40 = arith.constant dense<2147483647> : vector<512xi32>
    %reduce_min3A_41 = vector.multi_reduction <minsi>, %select_n3A_39, %reduce_min3A_40 [1] : vector<512x2048xi32> to vector<512xi32>
    %broadcast_in_dim3A_42 = vector.shape_cast %reduce_min3A_41 : vector<512xi32> to vector<512x1xi32>
    %eq3A_43 = vector.broadcast %broadcast_in_dim3A_42 : vector<512x1xi32> to vector<512x2048xi32>
    %eq3A_44 = arith.cmpi eq, %iota3A, %eq3A_43 : vector<512x2048xi32>
    %jit3A_45 = arith.constant 0x7F800000 : f32
    %broadcast_in_dim3A_46 = vector.broadcast %jit3A_45 : f32 to vector<512x2048xf32>
    %select_n3A_47 = arith.select %eq3A_44, %broadcast_in_dim3A_46, %select_n3A_31 : vector<512x2048xi1>, vector<512x2048xf32>
    %reduce_min3A_48 = arith.constant dense<0x7F800000> : vector<512xf32>
    %reduce_min3A_49 = vector.multi_reduction <minimumf>, %select_n3A_47, %reduce_min3A_48 [1] : vector<512x2048xf32> to vector<512xf32>
    %broadcast_in_dim3A_50 = vector.shape_cast %reduce_min3A_49 : vector<512xf32> to vector<512x1xf32>
    %eq3A_51 = vector.broadcast %broadcast_in_dim3A_50 : vector<512x1xf32> to vector<512x2048xf32>
    %eq3A_52 = arith.cmpf oeq, %select_n3A_47, %eq3A_51 : vector<512x2048xf32>
    %jit3A_53 = arith.constant 2048 : i32
    %broadcast_in_dim3A_54 = vector.broadcast %jit3A_53 : i32 to vector<512x2048xi32>
    %select_n3A_55 = arith.select %eq3A_52, %iota3A, %broadcast_in_dim3A_54 : vector<512x2048xi1>, vector<512x2048xi32>
    %reduce_min3A_56 = arith.constant dense<2147483647> : vector<512xi32>
    %reduce_min3A_57 = vector.multi_reduction <minsi>, %select_n3A_55, %reduce_min3A_56 [1] : vector<512x2048xi32> to vector<512xi32>
    %broadcast_in_dim3A_58 = vector.shape_cast %reduce_min3A_57 : vector<512xi32> to vector<512x1xi32>
    %concatenate3A = tpu.concatenate %broadcast_in_dim3A_26, %broadcast_in_dim3A_42, %broadcast_in_dim3A_58 in 1 : vector<512x1xi32>, vector<512x1xi32>, vector<512x1xi32> -> vector<512x3xi32>
    %transpose3A = tpu.transpose %concatenate3A, [1, 0] : vector<512x3xi32> -> vector<3x512xi32>
    %swap3A = arith.constant 0 : index
    %swap3A_59 = arith.constant 0 : index
    %swap3A_60 = vector.load %arg3[%swap3A, %swap3A_59] : memref<3x512xi32, #tpu.memory_space<vmem>>, vector<3x512xi32>
    tpu.vector_store %arg3[%swap3A, %swap3A_59], %transpose3A {strides = array<i32>} : memref<3x512xi32, #tpu.memory_space<vmem>>, vector<3x512xi32>,
    %concatenate3A_61 = tpu.concatenate %broadcast_in_dim3A, %broadcast_in_dim3A_34, %broadcast_in_dim3A_50 in 1 : vector<512x1xf32>, vector<512x1xf32>, vector<512x1xf32> -> vector<512x3xf32>
    %transpose3A_62 = tpu.transpose %concatenate3A_61, [1, 0] : vector<512x3xf32> -> vector<3x512xf32>
    %swap3A_63 = arith.constant 0 : index
    %swap3A_64 = arith.constant 0 : index
    %swap3A_65 = vector.load %arg4[%swap3A_63, %swap3A_64] : memref<3x512xf32, #tpu.memory_space<vmem>>, vector<3x512xf32>
    tpu.vector_store %arg4[%swap3A_63, %swap3A_64], %transpose3A_62 {strides = array<i32>} : memref<3x512xf32, #tpu.memory_space<vmem>>, vector<3x512xf32>,
    return
  }
  func.func @transform_0(%arg0: i32) -> (i32, i32) {
    %c0_i32 = arith.constant 0 : i32
    %c0_i32_0 = arith.constant 0 : i32
    return %arg0, %c0_i32 : i32, i32
  }
  func.func @transform_1(%arg0: i32) -> (i32, i32) {
    %c0_i32 = arith.constant 0 : i32
    %c0_i32_0 = arith.constant 0 : i32
    %c0_i32_1 = arith.constant 0 : i32
    return %c0_i32, %c0_i32_0 : i32, i32
  }
  func.func @transform_2(%arg0: i32) -> (i32, i32) {
    %c0_i32 = arith.constant 0 : i32
    %c0_i32_0 = arith.constant 0 : i32
    return %c0_i32, %arg0 : i32, i32
  }
  func.func @transform_3(%arg0: i32) -> (i32, i32) {
    %c0_i32 = arith.constant 0 : i32
    %c0_i32_0 = arith.constant 0 : i32
    return %c0_i32, %arg0 : i32, i32
  }
}

module attributes {stable_mosaic.version = 14 : i64} {
  func.func @_layer_body(%arg0: i32, %arg1: memref<1024x128xf32, #tpu.memory_space<vmem>>, %arg2: memref<3x1024x128xf32, #tpu.memory_space<vmem>>, %arg3: memref<3x1024x1xf32, #tpu.memory_space<vmem>>, %arg4: memref<257x514xf32, #tpu.memory_space<vmem>>, %arg5: memref<514xf32, #tpu.memory_space<vmem>>, %arg6: memref<514x16xf32, #tpu.memory_space<vmem>>, %arg7: memref<16xf32, #tpu.memory_space<vmem>>, %arg8: memref<144x256xf32, #tpu.memory_space<vmem>>, %arg9: memref<256xf32, #tpu.memory_space<vmem>>, %arg10: memref<256x128xf32, #tpu.memory_space<vmem>>, %arg11: memref<128xf32, #tpu.memory_space<vmem>>, %arg12: memref<1024x128xf32, #tpu.memory_space<vmem>>) attributes {dimension_semantics = [#tpu.dimension_semantics<arbitrary>], iteration_bounds = array<i64: 2>, scalar_prefetch = 0 : i64, scratch_operands = 0 : i64, tpu.core_type = #tpu.core_type<tc>, window_params = [{transform_indices = @transform_0, window_bounds = array<i64: 1024, 128>}, {transform_indices = @transform_1, window_bounds = array<i64: 3, 1024, 128>}, {transform_indices = @transform_2, window_bounds = array<i64: 3, 1024, 1>}, {pipeline_mode = #tpu.pipeline_mode<synchronous>, transform_indices = @transform_3, window_bounds = array<i64: 257, 514>}, {pipeline_mode = #tpu.pipeline_mode<synchronous>, transform_indices = @transform_4, window_bounds = array<i64: 514>}, {pipeline_mode = #tpu.pipeline_mode<synchronous>, transform_indices = @transform_5, window_bounds = array<i64: 514, 16>}, {pipeline_mode = #tpu.pipeline_mode<synchronous>, transform_indices = @transform_6, window_bounds = array<i64: 16>}, {pipeline_mode = #tpu.pipeline_mode<synchronous>, transform_indices = @transform_7, window_bounds = array<i64: 144, 256>}, {pipeline_mode = #tpu.pipeline_mode<synchronous>, transform_indices = @transform_8, window_bounds = array<i64: 256>}, {pipeline_mode = #tpu.pipeline_mode<synchronous>, transform_indices = @transform_9, window_bounds = array<i64: 256, 128>}, {pipeline_mode = #tpu.pipeline_mode<synchronous>, transform_indices = @transform_10, window_bounds = array<i64: 128>}, {transform_indices = @transform_11, window_bounds = array<i64: 1024, 128>}]} {
    %get3A = arith.constant 0 : index
    %get3A_0 = arith.constant 0 : index
    %get3A_1 = vector.load %arg1[%get3A, %get3A_0] : memref<1024x128xf32, #tpu.memory_space<vmem>>, vector<1024x128xf32>
    %get3A_2 = arith.constant 0 : index
    %get3A_3 = arith.constant 0 : index
    %get3A_4 = vector.load %arg4[%get3A_2, %get3A_3] : memref<257x514xf32, #tpu.memory_space<vmem>>, vector<128x514xf32>
    %get3A_5 = arith.constant 128 : index
    %get3A_6 = arith.constant 0 : index
    %get3A_7 = vector.load %arg4[%get3A_5, %get3A_6] : memref<257x514xf32, #tpu.memory_space<vmem>>, vector<128x514xf32>
    %get3A_8 = arith.constant 256 : index
    %get3A_9 = arith.constant 0 : index
    %get3A_10 = vector.load %arg4[%get3A_8, %get3A_9] : memref<257x514xf32, #tpu.memory_space<vmem>>, vector<1x514xf32>
    %dot_general3A = arith.constant dense<0.000000e+00> : vector<1024x514xf32>
    %dot_general3A_11 = tpu.matmul %get3A_1, %get3A_4, %dot_general3A {dimension_numbers = #tpu.dot_dimension_numbers<[1], [0], [0], [1], [0, 0, 1, 1], [], []>, transpose_lhs_hint = false} : vector<1024x128xf32>, vector<128x514xf32>, vector<1024x514xf32> -> vector<1024x514xf32>
    %get3A_12 = arith.constant 0 : index
    %get3A_13 = vector.load %arg5[%get3A_12] : memref<514xf32, #tpu.memory_space<vmem>>, vector<514xf32>
    %broadcast_in_dim3A = vector.shape_cast %get3A_13 : vector<514xf32> to vector<1x514xf32>
    %add3A = vector.broadcast %broadcast_in_dim3A : vector<1x514xf32> to vector<1024x514xf32>
    %add3A_14 = arith.addf %dot_general3A_11, %add3A : vector<1024x514xf32>
    %broadcast_in_dim3A_15 = arith.constant 0.000000e+00 : f32
    %broadcast_in_dim3A_16 = vector.broadcast %broadcast_in_dim3A_15 : f32 to vector<1024x16xf32>
    %get3A_17 = arith.constant 0 : index
    %get3A_18 = arith.constant 0 : index
    %get3A_19 = arith.constant 0 : index
    %get3A_20 = vector.load %arg2[%get3A_17, %get3A_18, %get3A_19] : memref<3x1024x128xf32, #tpu.memory_space<vmem>>, vector<1x1024x128xf32>
    %get3A_21 = vector.shape_cast %get3A_20 : vector<1x1024x128xf32> to vector<1024x128xf32>
    %dot_general3A_22 = arith.constant dense<0.000000e+00> : vector<1024x514xf32>
    %dot_general3A_23 = tpu.matmul %get3A_21, %get3A_7, %dot_general3A_22 {dimension_numbers = #tpu.dot_dimension_numbers<[1], [0], [0], [1], [0, 0, 1, 1], [], []>, transpose_lhs_hint = false} : vector<1024x128xf32>, vector<128x514xf32>, vector<1024x514xf32> -> vector<1024x514xf32>
    %add3A_24 = arith.addf %add3A_14, %dot_general3A_23 : vector<1024x514xf32>
    %get3A_25 = arith.constant 0 : index
    %get3A_26 = arith.constant 0 : index
    %get3A_27 = arith.constant 0 : index
    %get3A_28 = vector.load %arg3[%get3A_25, %get3A_26, %get3A_27] : memref<3x1024x1xf32, #tpu.memory_space<vmem>>, vector<1x1024x1xf32>
    %get3A_29 = vector.shape_cast %get3A_28 : vector<1x1024x1xf32> to vector<1024x1xf32>
    %mul3A = vector.broadcast %get3A_29 : vector<1024x1xf32> to vector<1024x514xf32>
    %mul3A_30 = vector.broadcast %get3A_10 : vector<1x514xf32> to vector<1024x514xf32>
    %mul3A_31 = arith.mulf %mul3A, %mul3A_30 : vector<1024x514xf32>
    %add3A_32 = arith.addf %add3A_24, %mul3A_31 : vector<1024x514xf32>
    %logistic3A = arith.negf %add3A_32 : vector<1024x514xf32>
    %logistic3A_33 = math.exp %logistic3A : vector<1024x514xf32>
    %logistic3A_34 = arith.constant 1.000000e+00 : f32
    %logistic3A_35 = vector.broadcast %logistic3A_34 : f32 to vector<1024x514xf32>
    %logistic3A_36 = arith.addf %logistic3A_35, %logistic3A_33 : vector<1024x514xf32>
    %logistic3A_37 = arith.divf %logistic3A_35, %logistic3A_36 : vector<1024x514xf32>
    %mul3A_38 = arith.mulf %add3A_32, %logistic3A_37 : vector<1024x514xf32>
    %get3A_39 = arith.constant 0 : index
    %get3A_40 = arith.constant 0 : index
    %get3A_41 = vector.load %arg6[%get3A_39, %get3A_40] : memref<514x16xf32, #tpu.memory_space<vmem>>, vector<514x16xf32>
    %dot_general3A_42 = arith.constant dense<0.000000e+00> : vector<1024x16xf32>
    %dot_general3A_43 = tpu.matmul %mul3A_38, %get3A_41, %dot_general3A_42 {dimension_numbers = #tpu.dot_dimension_numbers<[1], [0], [0], [1], [0, 0, 1, 1], [], []>, transpose_lhs_hint = false} : vector<1024x514xf32>, vector<514x16xf32>, vector<1024x16xf32> -> vector<1024x16xf32>
    %get3A_44 = arith.constant 0 : index
    %get3A_45 = vector.load %arg7[%get3A_44] : memref<16xf32, #tpu.memory_space<vmem>>, vector<16xf32>
    %broadcast_in_dim3A_46 = vector.shape_cast %get3A_45 : vector<16xf32> to vector<1x16xf32>
    %add3A_47 = vector.broadcast %broadcast_in_dim3A_46 : vector<1x16xf32> to vector<1024x16xf32>
    %add3A_48 = arith.addf %dot_general3A_43, %add3A_47 : vector<1024x16xf32>
    %logistic3A_49 = arith.negf %add3A_48 : vector<1024x16xf32>
    %logistic3A_50 = math.exp %logistic3A_49 : vector<1024x16xf32>
    %logistic3A_51 = arith.constant 1.000000e+00 : f32
    %logistic3A_52 = vector.broadcast %logistic3A_51 : f32 to vector<1024x16xf32>
    %logistic3A_53 = arith.addf %logistic3A_52, %logistic3A_50 : vector<1024x16xf32>
    %logistic3A_54 = arith.divf %logistic3A_52, %logistic3A_53 : vector<1024x16xf32>
    %mul3A_55 = arith.mulf %add3A_48, %logistic3A_54 : vector<1024x16xf32>
    %add3A_56 = arith.addf %broadcast_in_dim3A_16, %mul3A_55 : vector<1024x16xf32>
    %get3A_57 = arith.constant 1 : index
    %get3A_58 = arith.constant 0 : index
    %get3A_59 = arith.constant 0 : index
    %get3A_60 = vector.load %arg2[%get3A_57, %get3A_58, %get3A_59] : memref<3x1024x128xf32, #tpu.memory_space<vmem>>, vector<1x1024x128xf32>
    %get3A_61 = vector.shape_cast %get3A_60 : vector<1x1024x128xf32> to vector<1024x128xf32>
    %dot_general3A_62 = arith.constant dense<0.000000e+00> : vector<1024x514xf32>
    %dot_general3A_63 = tpu.matmul %get3A_61, %get3A_7, %dot_general3A_62 {dimension_numbers = #tpu.dot_dimension_numbers<[1], [0], [0], [1], [0, 0, 1, 1], [], []>, transpose_lhs_hint = false} : vector<1024x128xf32>, vector<128x514xf32>, vector<1024x514xf32> -> vector<1024x514xf32>
    %add3A_64 = arith.addf %add3A_14, %dot_general3A_63 : vector<1024x514xf32>
    %get3A_65 = arith.constant 1 : index
    %get3A_66 = arith.constant 0 : index
    %get3A_67 = arith.constant 0 : index
    %get3A_68 = vector.load %arg3[%get3A_65, %get3A_66, %get3A_67] : memref<3x1024x1xf32, #tpu.memory_space<vmem>>, vector<1x1024x1xf32>
    %get3A_69 = vector.shape_cast %get3A_68 : vector<1x1024x1xf32> to vector<1024x1xf32>
    %mul3A_70 = vector.broadcast %get3A_69 : vector<1024x1xf32> to vector<1024x514xf32>
    %mul3A_71 = vector.broadcast %get3A_10 : vector<1x514xf32> to vector<1024x514xf32>
    %mul3A_72 = arith.mulf %mul3A_70, %mul3A_71 : vector<1024x514xf32>
    %add3A_73 = arith.addf %add3A_64, %mul3A_72 : vector<1024x514xf32>
    %logistic3A_74 = arith.negf %add3A_73 : vector<1024x514xf32>
    %logistic3A_75 = math.exp %logistic3A_74 : vector<1024x514xf32>
    %logistic3A_76 = arith.constant 1.000000e+00 : f32
    %logistic3A_77 = vector.broadcast %logistic3A_76 : f32 to vector<1024x514xf32>
    %logistic3A_78 = arith.addf %logistic3A_77, %logistic3A_75 : vector<1024x514xf32>
    %logistic3A_79 = arith.divf %logistic3A_77, %logistic3A_78 : vector<1024x514xf32>
    %mul3A_80 = arith.mulf %add3A_73, %logistic3A_79 : vector<1024x514xf32>
    %get3A_81 = arith.constant 0 : index
    %get3A_82 = arith.constant 0 : index
    %get3A_83 = vector.load %arg6[%get3A_81, %get3A_82] : memref<514x16xf32, #tpu.memory_space<vmem>>, vector<514x16xf32>
    %dot_general3A_84 = arith.constant dense<0.000000e+00> : vector<1024x16xf32>
    %dot_general3A_85 = tpu.matmul %mul3A_80, %get3A_83, %dot_general3A_84 {dimension_numbers = #tpu.dot_dimension_numbers<[1], [0], [0], [1], [0, 0, 1, 1], [], []>, transpose_lhs_hint = false} : vector<1024x514xf32>, vector<514x16xf32>, vector<1024x16xf32> -> vector<1024x16xf32>
    %get3A_86 = arith.constant 0 : index
    %get3A_87 = vector.load %arg7[%get3A_86] : memref<16xf32, #tpu.memory_space<vmem>>, vector<16xf32>
    %broadcast_in_dim3A_88 = vector.shape_cast %get3A_87 : vector<16xf32> to vector<1x16xf32>
    %add3A_89 = vector.broadcast %broadcast_in_dim3A_88 : vector<1x16xf32> to vector<1024x16xf32>
    %add3A_90 = arith.addf %dot_general3A_85, %add3A_89 : vector<1024x16xf32>
    %logistic3A_91 = arith.negf %add3A_90 : vector<1024x16xf32>
    %logistic3A_92 = math.exp %logistic3A_91 : vector<1024x16xf32>
    %logistic3A_93 = arith.constant 1.000000e+00 : f32
    %logistic3A_94 = vector.broadcast %logistic3A_93 : f32 to vector<1024x16xf32>
    %logistic3A_95 = arith.addf %logistic3A_94, %logistic3A_92 : vector<1024x16xf32>
    %logistic3A_96 = arith.divf %logistic3A_94, %logistic3A_95 : vector<1024x16xf32>
    %mul3A_97 = arith.mulf %add3A_90, %logistic3A_96 : vector<1024x16xf32>
    %add3A_98 = arith.addf %add3A_56, %mul3A_97 : vector<1024x16xf32>
    %get3A_99 = arith.constant 2 : index
    %get3A_100 = arith.constant 0 : index
    %get3A_101 = arith.constant 0 : index
    %get3A_102 = vector.load %arg2[%get3A_99, %get3A_100, %get3A_101] : memref<3x1024x128xf32, #tpu.memory_space<vmem>>, vector<1x1024x128xf32>
    %get3A_103 = vector.shape_cast %get3A_102 : vector<1x1024x128xf32> to vector<1024x128xf32>
    %dot_general3A_104 = arith.constant dense<0.000000e+00> : vector<1024x514xf32>
    %dot_general3A_105 = tpu.matmul %get3A_103, %get3A_7, %dot_general3A_104 {dimension_numbers = #tpu.dot_dimension_numbers<[1], [0], [0], [1], [0, 0, 1, 1], [], []>, transpose_lhs_hint = false} : vector<1024x128xf32>, vector<128x514xf32>, vector<1024x514xf32> -> vector<1024x514xf32>
    %add3A_106 = arith.addf %add3A_14, %dot_general3A_105 : vector<1024x514xf32>
    %get3A_107 = arith.constant 2 : index
    %get3A_108 = arith.constant 0 : index
    %get3A_109 = arith.constant 0 : index
    %get3A_110 = vector.load %arg3[%get3A_107, %get3A_108, %get3A_109] : memref<3x1024x1xf32, #tpu.memory_space<vmem>>, vector<1x1024x1xf32>
    %get3A_111 = vector.shape_cast %get3A_110 : vector<1x1024x1xf32> to vector<1024x1xf32>
    %mul3A_112 = vector.broadcast %get3A_111 : vector<1024x1xf32> to vector<1024x514xf32>
    %mul3A_113 = vector.broadcast %get3A_10 : vector<1x514xf32> to vector<1024x514xf32>
    %mul3A_114 = arith.mulf %mul3A_112, %mul3A_113 : vector<1024x514xf32>
    %add3A_115 = arith.addf %add3A_106, %mul3A_114 : vector<1024x514xf32>
    %logistic3A_116 = arith.negf %add3A_115 : vector<1024x514xf32>
    %logistic3A_117 = math.exp %logistic3A_116 : vector<1024x514xf32>
    %logistic3A_118 = arith.constant 1.000000e+00 : f32
    %logistic3A_119 = vector.broadcast %logistic3A_118 : f32 to vector<1024x514xf32>
    %logistic3A_120 = arith.addf %logistic3A_119, %logistic3A_117 : vector<1024x514xf32>
    %logistic3A_121 = arith.divf %logistic3A_119, %logistic3A_120 : vector<1024x514xf32>
    %mul3A_122 = arith.mulf %add3A_115, %logistic3A_121 : vector<1024x514xf32>
    %get3A_123 = arith.constant 0 : index
    %get3A_124 = arith.constant 0 : index
    %get3A_125 = vector.load %arg6[%get3A_123, %get3A_124] : memref<514x16xf32, #tpu.memory_space<vmem>>, vector<514x16xf32>
    %dot_general3A_126 = arith.constant dense<0.000000e+00> : vector<1024x16xf32>
    %dot_general3A_127 = tpu.matmul %mul3A_122, %get3A_125, %dot_general3A_126 {dimension_numbers = #tpu.dot_dimension_numbers<[1], [0], [0], [1], [0, 0, 1, 1], [], []>, transpose_lhs_hint = false} : vector<1024x514xf32>, vector<514x16xf32>, vector<1024x16xf32> -> vector<1024x16xf32>
    %get3A_128 = arith.constant 0 : index
    %get3A_129 = vector.load %arg7[%get3A_128] : memref<16xf32, #tpu.memory_space<vmem>>, vector<16xf32>
    %broadcast_in_dim3A_130 = vector.shape_cast %get3A_129 : vector<16xf32> to vector<1x16xf32>
    %add3A_131 = vector.broadcast %broadcast_in_dim3A_130 : vector<1x16xf32> to vector<1024x16xf32>
    %add3A_132 = arith.addf %dot_general3A_127, %add3A_131 : vector<1024x16xf32>
    %logistic3A_133 = arith.negf %add3A_132 : vector<1024x16xf32>
    %logistic3A_134 = math.exp %logistic3A_133 : vector<1024x16xf32>
    %logistic3A_135 = arith.constant 1.000000e+00 : f32
    %logistic3A_136 = vector.broadcast %logistic3A_135 : f32 to vector<1024x16xf32>
    %logistic3A_137 = arith.addf %logistic3A_136, %logistic3A_134 : vector<1024x16xf32>
    %logistic3A_138 = arith.divf %logistic3A_136, %logistic3A_137 : vector<1024x16xf32>
    %mul3A_139 = arith.mulf %add3A_132, %logistic3A_138 : vector<1024x16xf32>
    %add3A_140 = arith.addf %add3A_98, %mul3A_139 : vector<1024x16xf32>
    %get3A_141 = arith.constant 0 : index
    %get3A_142 = arith.constant 0 : index
    %get3A_143 = vector.load %arg8[%get3A_141, %get3A_142] : memref<144x256xf32, #tpu.memory_space<vmem>>, vector<128x256xf32>
    %dot_general3A_144 = arith.constant dense<0.000000e+00> : vector<1024x256xf32>
    %dot_general3A_145 = tpu.matmul %get3A_1, %get3A_143, %dot_general3A_144 {dimension_numbers = #tpu.dot_dimension_numbers<[1], [0], [0], [1], [0, 0, 1, 1], [], []>, transpose_lhs_hint = false} : vector<1024x128xf32>, vector<128x256xf32>, vector<1024x256xf32> -> vector<1024x256xf32>
    %get3A_146 = arith.constant 128 : index
    %get3A_147 = arith.constant 0 : index
    %get3A_148 = vector.load %arg8[%get3A_146, %get3A_147] : memref<144x256xf32, #tpu.memory_space<vmem>>, vector<16x256xf32>
    %dot_general3A_149 = arith.constant dense<0.000000e+00> : vector<1024x256xf32>
    %dot_general3A_150 = tpu.matmul %add3A_140, %get3A_148, %dot_general3A_149 {dimension_numbers = #tpu.dot_dimension_numbers<[1], [0], [0], [1], [0, 0, 1, 1], [], []>, transpose_lhs_hint = false} : vector<1024x16xf32>, vector<16x256xf32>, vector<1024x256xf32> -> vector<1024x256xf32>
    %add3A_151 = arith.addf %dot_general3A_145, %dot_general3A_150 : vector<1024x256xf32>
    %get3A_152 = arith.constant 0 : index
    %get3A_153 = vector.load %arg9[%get3A_152] : memref<256xf32, #tpu.memory_space<vmem>>, vector<256xf32>
    %broadcast_in_dim3A_154 = vector.shape_cast %get3A_153 : vector<256xf32> to vector<1x256xf32>
    %add3A_155 = vector.broadcast %broadcast_in_dim3A_154 : vector<1x256xf32> to vector<1024x256xf32>
    %add3A_156 = arith.addf %add3A_151, %add3A_155 : vector<1024x256xf32>
    %logistic3A_157 = arith.negf %add3A_156 : vector<1024x256xf32>
    %logistic3A_158 = math.exp %logistic3A_157 : vector<1024x256xf32>
    %logistic3A_159 = arith.constant 1.000000e+00 : f32
    %logistic3A_160 = vector.broadcast %logistic3A_159 : f32 to vector<1024x256xf32>
    %logistic3A_161 = arith.addf %logistic3A_160, %logistic3A_158 : vector<1024x256xf32>
    %logistic3A_162 = arith.divf %logistic3A_160, %logistic3A_161 : vector<1024x256xf32>
    %mul3A_163 = arith.mulf %add3A_156, %logistic3A_162 : vector<1024x256xf32>
    %get3A_164 = arith.constant 0 : index
    %get3A_165 = arith.constant 0 : index
    %get3A_166 = vector.load %arg10[%get3A_164, %get3A_165] : memref<256x128xf32, #tpu.memory_space<vmem>>, vector<256x128xf32>
    %dot_general3A_167 = arith.constant dense<0.000000e+00> : vector<1024x128xf32>
    %dot_general3A_168 = tpu.matmul %mul3A_163, %get3A_166, %dot_general3A_167 {dimension_numbers = #tpu.dot_dimension_numbers<[1], [0], [0], [1], [0, 0, 1, 1], [], []>, transpose_lhs_hint = false} : vector<1024x256xf32>, vector<256x128xf32>, vector<1024x128xf32> -> vector<1024x128xf32>
    %add3A_169 = arith.addf %get3A_1, %dot_general3A_168 : vector<1024x128xf32>
    %get3A_170 = arith.constant 0 : index
    %get3A_171 = vector.load %arg11[%get3A_170] : memref<128xf32, #tpu.memory_space<vmem>>, vector<128xf32>
    %broadcast_in_dim3A_172 = vector.shape_cast %get3A_171 : vector<128xf32> to vector<1x128xf32>
    %add3A_173 = vector.broadcast %broadcast_in_dim3A_172 : vector<1x128xf32> to vector<1024x128xf32>
    %add3A_174 = arith.addf %add3A_169, %add3A_173 : vector<1024x128xf32>
    %swap3A = arith.constant 0 : index
    %swap3A_175 = arith.constant 0 : index
    %swap3A_176 = vector.load %arg12[%swap3A, %swap3A_175] : memref<1024x128xf32, #tpu.memory_space<vmem>>, vector<1024x128xf32>
    tpu.vector_store %arg12[%swap3A, %swap3A_175], %add3A_174 {strides = array<i32>} : memref<1024x128xf32, #tpu.memory_space<vmem>>, vector<1024x128xf32>,
    return
  }
  func.func @transform_0(%arg0: i32) -> (i32, i32) {
    %c0_i32 = arith.constant 0 : i32
    %c0_i32_0 = arith.constant 0 : i32
    return %arg0, %c0_i32 : i32, i32
  }
  func.func @transform_1(%arg0: i32) -> (i32, i32, i32) {
    %c0_i32 = arith.constant 0 : i32
    %c0_i32_0 = arith.constant 0 : i32
    %c0_i32_1 = arith.constant 0 : i32
    return %c0_i32, %arg0, %c0_i32_0 : i32, i32, i32
  }
  func.func @transform_2(%arg0: i32) -> (i32, i32, i32) {
    %c0_i32 = arith.constant 0 : i32
    %c0_i32_0 = arith.constant 0 : i32
    %c0_i32_1 = arith.constant 0 : i32
    return %c0_i32, %arg0, %c0_i32_0 : i32, i32, i32
  }
  func.func @transform_3(%arg0: i32) -> (i32, i32) {
    %c0_i32 = arith.constant 0 : i32
    %c0_i32_0 = arith.constant 0 : i32
    %c0_i32_1 = arith.constant 0 : i32
    return %c0_i32, %c0_i32_0 : i32, i32
  }
  func.func @transform_4(%arg0: i32) -> i32 {
    %c0_i32 = arith.constant 0 : i32
    %c0_i32_0 = arith.constant 0 : i32
    return %c0_i32 : i32
  }
  func.func @transform_5(%arg0: i32) -> (i32, i32) {
    %c0_i32 = arith.constant 0 : i32
    %c0_i32_0 = arith.constant 0 : i32
    %c0_i32_1 = arith.constant 0 : i32
    return %c0_i32, %c0_i32_0 : i32, i32
  }
  func.func @transform_6(%arg0: i32) -> i32 {
    %c0_i32 = arith.constant 0 : i32
    %c0_i32_0 = arith.constant 0 : i32
    return %c0_i32 : i32
  }
  func.func @transform_7(%arg0: i32) -> (i32, i32) {
    %c0_i32 = arith.constant 0 : i32
    %c0_i32_0 = arith.constant 0 : i32
    %c0_i32_1 = arith.constant 0 : i32
    return %c0_i32, %c0_i32_0 : i32, i32
  }
  func.func @transform_8(%arg0: i32) -> i32 {
    %c0_i32 = arith.constant 0 : i32
    %c0_i32_0 = arith.constant 0 : i32
    return %c0_i32 : i32
  }
  func.func @transform_9(%arg0: i32) -> (i32, i32) {
    %c0_i32 = arith.constant 0 : i32
    %c0_i32_0 = arith.constant 0 : i32
    %c0_i32_1 = arith.constant 0 : i32
    return %c0_i32, %c0_i32_0 : i32, i32
  }
  func.func @transform_10(%arg0: i32) -> i32 {
    %c0_i32 = arith.constant 0 : i32
    %c0_i32_0 = arith.constant 0 : i32
    return %c0_i32 : i32
  }
  func.func @transform_11(%arg0: i32) -> (i32, i32) {
    %c0_i32 = arith.constant 0 : i32
    %c0_i32_0 = arith.constant 0 : i32
    return %arg0, %c0_i32 : i32, i32
  }
}

module attributes {stable_mosaic.version = 14 : i64} {
  func.func @_layer_final_body(%arg0: i32, %arg1: memref<1024x128xf32, #tpu.memory_space<vmem>>, %arg2: memref<3x1024x128xf32, #tpu.memory_space<vmem>>, %arg3: memref<3x1024x1xf32, #tpu.memory_space<vmem>>, %arg4: memref<257x514xf32, #tpu.memory_space<vmem>>, %arg5: memref<514xf32, #tpu.memory_space<vmem>>, %arg6: memref<514x16xf32, #tpu.memory_space<vmem>>, %arg7: memref<16xf32, #tpu.memory_space<vmem>>, %arg8: memref<144x256xf32, #tpu.memory_space<vmem>>, %arg9: memref<256xf32, #tpu.memory_space<vmem>>, %arg10: memref<256x128xf32, #tpu.memory_space<vmem>>, %arg11: memref<128xf32, #tpu.memory_space<vmem>>, %arg12: memref<128x20xf32, #tpu.memory_space<vmem>>, %arg13: memref<20xf32, #tpu.memory_space<vmem>>, %arg14: memref<1024x20xf32, #tpu.memory_space<vmem>>) attributes {dimension_semantics = [#tpu.dimension_semantics<arbitrary>], iteration_bounds = array<i64: 2>, scalar_prefetch = 0 : i64, scratch_operands = 0 : i64, tpu.core_type = #tpu.core_type<tc>, window_params = [{transform_indices = @transform_0, window_bounds = array<i64: 1024, 128>}, {transform_indices = @transform_1, window_bounds = array<i64: 3, 1024, 128>}, {transform_indices = @transform_2, window_bounds = array<i64: 3, 1024, 1>}, {pipeline_mode = #tpu.pipeline_mode<synchronous>, transform_indices = @transform_3, window_bounds = array<i64: 257, 514>}, {pipeline_mode = #tpu.pipeline_mode<synchronous>, transform_indices = @transform_4, window_bounds = array<i64: 514>}, {pipeline_mode = #tpu.pipeline_mode<synchronous>, transform_indices = @transform_5, window_bounds = array<i64: 514, 16>}, {pipeline_mode = #tpu.pipeline_mode<synchronous>, transform_indices = @transform_6, window_bounds = array<i64: 16>}, {pipeline_mode = #tpu.pipeline_mode<synchronous>, transform_indices = @transform_7, window_bounds = array<i64: 144, 256>}, {pipeline_mode = #tpu.pipeline_mode<synchronous>, transform_indices = @transform_8, window_bounds = array<i64: 256>}, {pipeline_mode = #tpu.pipeline_mode<synchronous>, transform_indices = @transform_9, window_bounds = array<i64: 256, 128>}, {pipeline_mode = #tpu.pipeline_mode<synchronous>, transform_indices = @transform_10, window_bounds = array<i64: 128>}, {pipeline_mode = #tpu.pipeline_mode<synchronous>, transform_indices = @transform_11, window_bounds = array<i64: 128, 20>}, {pipeline_mode = #tpu.pipeline_mode<synchronous>, transform_indices = @transform_12, window_bounds = array<i64: 20>}, {transform_indices = @transform_13, window_bounds = array<i64: 1024, 20>}]} {
    %get3A = arith.constant 0 : index
    %get3A_0 = arith.constant 0 : index
    %get3A_1 = vector.load %arg1[%get3A, %get3A_0] : memref<1024x128xf32, #tpu.memory_space<vmem>>, vector<1024x128xf32>
    %get3A_2 = arith.constant 0 : index
    %get3A_3 = arith.constant 0 : index
    %get3A_4 = vector.load %arg4[%get3A_2, %get3A_3] : memref<257x514xf32, #tpu.memory_space<vmem>>, vector<128x514xf32>
    %get3A_5 = arith.constant 128 : index
    %get3A_6 = arith.constant 0 : index
    %get3A_7 = vector.load %arg4[%get3A_5, %get3A_6] : memref<257x514xf32, #tpu.memory_space<vmem>>, vector<128x514xf32>
    %get3A_8 = arith.constant 256 : index
    %get3A_9 = arith.constant 0 : index
    %get3A_10 = vector.load %arg4[%get3A_8, %get3A_9] : memref<257x514xf32, #tpu.memory_space<vmem>>, vector<1x514xf32>
    %dot_general3A = arith.constant dense<0.000000e+00> : vector<1024x514xf32>
    %dot_general3A_11 = tpu.matmul %get3A_1, %get3A_4, %dot_general3A {dimension_numbers = #tpu.dot_dimension_numbers<[1], [0], [0], [1], [0, 0, 1, 1], [], []>, transpose_lhs_hint = false} : vector<1024x128xf32>, vector<128x514xf32>, vector<1024x514xf32> -> vector<1024x514xf32>
    %get3A_12 = arith.constant 0 : index
    %get3A_13 = vector.load %arg5[%get3A_12] : memref<514xf32, #tpu.memory_space<vmem>>, vector<514xf32>
    %broadcast_in_dim3A = vector.shape_cast %get3A_13 : vector<514xf32> to vector<1x514xf32>
    %add3A = vector.broadcast %broadcast_in_dim3A : vector<1x514xf32> to vector<1024x514xf32>
    %add3A_14 = arith.addf %dot_general3A_11, %add3A : vector<1024x514xf32>
    %broadcast_in_dim3A_15 = arith.constant 0.000000e+00 : f32
    %broadcast_in_dim3A_16 = vector.broadcast %broadcast_in_dim3A_15 : f32 to vector<1024x16xf32>
    %get3A_17 = arith.constant 0 : index
    %get3A_18 = arith.constant 0 : index
    %get3A_19 = arith.constant 0 : index
    %get3A_20 = vector.load %arg2[%get3A_17, %get3A_18, %get3A_19] : memref<3x1024x128xf32, #tpu.memory_space<vmem>>, vector<1x1024x128xf32>
    %get3A_21 = vector.shape_cast %get3A_20 : vector<1x1024x128xf32> to vector<1024x128xf32>
    %dot_general3A_22 = arith.constant dense<0.000000e+00> : vector<1024x514xf32>
    %dot_general3A_23 = tpu.matmul %get3A_21, %get3A_7, %dot_general3A_22 {dimension_numbers = #tpu.dot_dimension_numbers<[1], [0], [0], [1], [0, 0, 1, 1], [], []>, transpose_lhs_hint = false} : vector<1024x128xf32>, vector<128x514xf32>, vector<1024x514xf32> -> vector<1024x514xf32>
    %add3A_24 = arith.addf %add3A_14, %dot_general3A_23 : vector<1024x514xf32>
    %get3A_25 = arith.constant 0 : index
    %get3A_26 = arith.constant 0 : index
    %get3A_27 = arith.constant 0 : index
    %get3A_28 = vector.load %arg3[%get3A_25, %get3A_26, %get3A_27] : memref<3x1024x1xf32, #tpu.memory_space<vmem>>, vector<1x1024x1xf32>
    %get3A_29 = vector.shape_cast %get3A_28 : vector<1x1024x1xf32> to vector<1024x1xf32>
    %mul3A = vector.broadcast %get3A_29 : vector<1024x1xf32> to vector<1024x514xf32>
    %mul3A_30 = vector.broadcast %get3A_10 : vector<1x514xf32> to vector<1024x514xf32>
    %mul3A_31 = arith.mulf %mul3A, %mul3A_30 : vector<1024x514xf32>
    %add3A_32 = arith.addf %add3A_24, %mul3A_31 : vector<1024x514xf32>
    %logistic3A = arith.negf %add3A_32 : vector<1024x514xf32>
    %logistic3A_33 = math.exp %logistic3A : vector<1024x514xf32>
    %logistic3A_34 = arith.constant 1.000000e+00 : f32
    %logistic3A_35 = vector.broadcast %logistic3A_34 : f32 to vector<1024x514xf32>
    %logistic3A_36 = arith.addf %logistic3A_35, %logistic3A_33 : vector<1024x514xf32>
    %logistic3A_37 = arith.divf %logistic3A_35, %logistic3A_36 : vector<1024x514xf32>
    %mul3A_38 = arith.mulf %add3A_32, %logistic3A_37 : vector<1024x514xf32>
    %get3A_39 = arith.constant 0 : index
    %get3A_40 = arith.constant 0 : index
    %get3A_41 = vector.load %arg6[%get3A_39, %get3A_40] : memref<514x16xf32, #tpu.memory_space<vmem>>, vector<514x16xf32>
    %dot_general3A_42 = arith.constant dense<0.000000e+00> : vector<1024x16xf32>
    %dot_general3A_43 = tpu.matmul %mul3A_38, %get3A_41, %dot_general3A_42 {dimension_numbers = #tpu.dot_dimension_numbers<[1], [0], [0], [1], [0, 0, 1, 1], [], []>, transpose_lhs_hint = false} : vector<1024x514xf32>, vector<514x16xf32>, vector<1024x16xf32> -> vector<1024x16xf32>
    %get3A_44 = arith.constant 0 : index
    %get3A_45 = vector.load %arg7[%get3A_44] : memref<16xf32, #tpu.memory_space<vmem>>, vector<16xf32>
    %broadcast_in_dim3A_46 = vector.shape_cast %get3A_45 : vector<16xf32> to vector<1x16xf32>
    %add3A_47 = vector.broadcast %broadcast_in_dim3A_46 : vector<1x16xf32> to vector<1024x16xf32>
    %add3A_48 = arith.addf %dot_general3A_43, %add3A_47 : vector<1024x16xf32>
    %logistic3A_49 = arith.negf %add3A_48 : vector<1024x16xf32>
    %logistic3A_50 = math.exp %logistic3A_49 : vector<1024x16xf32>
    %logistic3A_51 = arith.constant 1.000000e+00 : f32
    %logistic3A_52 = vector.broadcast %logistic3A_51 : f32 to vector<1024x16xf32>
    %logistic3A_53 = arith.addf %logistic3A_52, %logistic3A_50 : vector<1024x16xf32>
    %logistic3A_54 = arith.divf %logistic3A_52, %logistic3A_53 : vector<1024x16xf32>
    %mul3A_55 = arith.mulf %add3A_48, %logistic3A_54 : vector<1024x16xf32>
    %add3A_56 = arith.addf %broadcast_in_dim3A_16, %mul3A_55 : vector<1024x16xf32>
    %get3A_57 = arith.constant 1 : index
    %get3A_58 = arith.constant 0 : index
    %get3A_59 = arith.constant 0 : index
    %get3A_60 = vector.load %arg2[%get3A_57, %get3A_58, %get3A_59] : memref<3x1024x128xf32, #tpu.memory_space<vmem>>, vector<1x1024x128xf32>
    %get3A_61 = vector.shape_cast %get3A_60 : vector<1x1024x128xf32> to vector<1024x128xf32>
    %dot_general3A_62 = arith.constant dense<0.000000e+00> : vector<1024x514xf32>
    %dot_general3A_63 = tpu.matmul %get3A_61, %get3A_7, %dot_general3A_62 {dimension_numbers = #tpu.dot_dimension_numbers<[1], [0], [0], [1], [0, 0, 1, 1], [], []>, transpose_lhs_hint = false} : vector<1024x128xf32>, vector<128x514xf32>, vector<1024x514xf32> -> vector<1024x514xf32>
    %add3A_64 = arith.addf %add3A_14, %dot_general3A_63 : vector<1024x514xf32>
    %get3A_65 = arith.constant 1 : index
    %get3A_66 = arith.constant 0 : index
    %get3A_67 = arith.constant 0 : index
    %get3A_68 = vector.load %arg3[%get3A_65, %get3A_66, %get3A_67] : memref<3x1024x1xf32, #tpu.memory_space<vmem>>, vector<1x1024x1xf32>
    %get3A_69 = vector.shape_cast %get3A_68 : vector<1x1024x1xf32> to vector<1024x1xf32>
    %mul3A_70 = vector.broadcast %get3A_69 : vector<1024x1xf32> to vector<1024x514xf32>
    %mul3A_71 = vector.broadcast %get3A_10 : vector<1x514xf32> to vector<1024x514xf32>
    %mul3A_72 = arith.mulf %mul3A_70, %mul3A_71 : vector<1024x514xf32>
    %add3A_73 = arith.addf %add3A_64, %mul3A_72 : vector<1024x514xf32>
    %logistic3A_74 = arith.negf %add3A_73 : vector<1024x514xf32>
    %logistic3A_75 = math.exp %logistic3A_74 : vector<1024x514xf32>
    %logistic3A_76 = arith.constant 1.000000e+00 : f32
    %logistic3A_77 = vector.broadcast %logistic3A_76 : f32 to vector<1024x514xf32>
    %logistic3A_78 = arith.addf %logistic3A_77, %logistic3A_75 : vector<1024x514xf32>
    %logistic3A_79 = arith.divf %logistic3A_77, %logistic3A_78 : vector<1024x514xf32>
    %mul3A_80 = arith.mulf %add3A_73, %logistic3A_79 : vector<1024x514xf32>
    %get3A_81 = arith.constant 0 : index
    %get3A_82 = arith.constant 0 : index
    %get3A_83 = vector.load %arg6[%get3A_81, %get3A_82] : memref<514x16xf32, #tpu.memory_space<vmem>>, vector<514x16xf32>
    %dot_general3A_84 = arith.constant dense<0.000000e+00> : vector<1024x16xf32>
    %dot_general3A_85 = tpu.matmul %mul3A_80, %get3A_83, %dot_general3A_84 {dimension_numbers = #tpu.dot_dimension_numbers<[1], [0], [0], [1], [0, 0, 1, 1], [], []>, transpose_lhs_hint = false} : vector<1024x514xf32>, vector<514x16xf32>, vector<1024x16xf32> -> vector<1024x16xf32>
    %get3A_86 = arith.constant 0 : index
    %get3A_87 = vector.load %arg7[%get3A_86] : memref<16xf32, #tpu.memory_space<vmem>>, vector<16xf32>
    %broadcast_in_dim3A_88 = vector.shape_cast %get3A_87 : vector<16xf32> to vector<1x16xf32>
    %add3A_89 = vector.broadcast %broadcast_in_dim3A_88 : vector<1x16xf32> to vector<1024x16xf32>
    %add3A_90 = arith.addf %dot_general3A_85, %add3A_89 : vector<1024x16xf32>
    %logistic3A_91 = arith.negf %add3A_90 : vector<1024x16xf32>
    %logistic3A_92 = math.exp %logistic3A_91 : vector<1024x16xf32>
    %logistic3A_93 = arith.constant 1.000000e+00 : f32
    %logistic3A_94 = vector.broadcast %logistic3A_93 : f32 to vector<1024x16xf32>
    %logistic3A_95 = arith.addf %logistic3A_94, %logistic3A_92 : vector<1024x16xf32>
    %logistic3A_96 = arith.divf %logistic3A_94, %logistic3A_95 : vector<1024x16xf32>
    %mul3A_97 = arith.mulf %add3A_90, %logistic3A_96 : vector<1024x16xf32>
    %add3A_98 = arith.addf %add3A_56, %mul3A_97 : vector<1024x16xf32>
    %get3A_99 = arith.constant 2 : index
    %get3A_100 = arith.constant 0 : index
    %get3A_101 = arith.constant 0 : index
    %get3A_102 = vector.load %arg2[%get3A_99, %get3A_100, %get3A_101] : memref<3x1024x128xf32, #tpu.memory_space<vmem>>, vector<1x1024x128xf32>
    %get3A_103 = vector.shape_cast %get3A_102 : vector<1x1024x128xf32> to vector<1024x128xf32>
    %dot_general3A_104 = arith.constant dense<0.000000e+00> : vector<1024x514xf32>
    %dot_general3A_105 = tpu.matmul %get3A_103, %get3A_7, %dot_general3A_104 {dimension_numbers = #tpu.dot_dimension_numbers<[1], [0], [0], [1], [0, 0, 1, 1], [], []>, transpose_lhs_hint = false} : vector<1024x128xf32>, vector<128x514xf32>, vector<1024x514xf32> -> vector<1024x514xf32>
    %add3A_106 = arith.addf %add3A_14, %dot_general3A_105 : vector<1024x514xf32>
    %get3A_107 = arith.constant 2 : index
    %get3A_108 = arith.constant 0 : index
    %get3A_109 = arith.constant 0 : index
    %get3A_110 = vector.load %arg3[%get3A_107, %get3A_108, %get3A_109] : memref<3x1024x1xf32, #tpu.memory_space<vmem>>, vector<1x1024x1xf32>
    %get3A_111 = vector.shape_cast %get3A_110 : vector<1x1024x1xf32> to vector<1024x1xf32>
    %mul3A_112 = vector.broadcast %get3A_111 : vector<1024x1xf32> to vector<1024x514xf32>
    %mul3A_113 = vector.broadcast %get3A_10 : vector<1x514xf32> to vector<1024x514xf32>
    %mul3A_114 = arith.mulf %mul3A_112, %mul3A_113 : vector<1024x514xf32>
    %add3A_115 = arith.addf %add3A_106, %mul3A_114 : vector<1024x514xf32>
    %logistic3A_116 = arith.negf %add3A_115 : vector<1024x514xf32>
    %logistic3A_117 = math.exp %logistic3A_116 : vector<1024x514xf32>
    %logistic3A_118 = arith.constant 1.000000e+00 : f32
    %logistic3A_119 = vector.broadcast %logistic3A_118 : f32 to vector<1024x514xf32>
    %logistic3A_120 = arith.addf %logistic3A_119, %logistic3A_117 : vector<1024x514xf32>
    %logistic3A_121 = arith.divf %logistic3A_119, %logistic3A_120 : vector<1024x514xf32>
    %mul3A_122 = arith.mulf %add3A_115, %logistic3A_121 : vector<1024x514xf32>
    %get3A_123 = arith.constant 0 : index
    %get3A_124 = arith.constant 0 : index
    %get3A_125 = vector.load %arg6[%get3A_123, %get3A_124] : memref<514x16xf32, #tpu.memory_space<vmem>>, vector<514x16xf32>
    %dot_general3A_126 = arith.constant dense<0.000000e+00> : vector<1024x16xf32>
    %dot_general3A_127 = tpu.matmul %mul3A_122, %get3A_125, %dot_general3A_126 {dimension_numbers = #tpu.dot_dimension_numbers<[1], [0], [0], [1], [0, 0, 1, 1], [], []>, transpose_lhs_hint = false} : vector<1024x514xf32>, vector<514x16xf32>, vector<1024x16xf32> -> vector<1024x16xf32>
    %get3A_128 = arith.constant 0 : index
    %get3A_129 = vector.load %arg7[%get3A_128] : memref<16xf32, #tpu.memory_space<vmem>>, vector<16xf32>
    %broadcast_in_dim3A_130 = vector.shape_cast %get3A_129 : vector<16xf32> to vector<1x16xf32>
    %add3A_131 = vector.broadcast %broadcast_in_dim3A_130 : vector<1x16xf32> to vector<1024x16xf32>
    %add3A_132 = arith.addf %dot_general3A_127, %add3A_131 : vector<1024x16xf32>
    %logistic3A_133 = arith.negf %add3A_132 : vector<1024x16xf32>
    %logistic3A_134 = math.exp %logistic3A_133 : vector<1024x16xf32>
    %logistic3A_135 = arith.constant 1.000000e+00 : f32
    %logistic3A_136 = vector.broadcast %logistic3A_135 : f32 to vector<1024x16xf32>
    %logistic3A_137 = arith.addf %logistic3A_136, %logistic3A_134 : vector<1024x16xf32>
    %logistic3A_138 = arith.divf %logistic3A_136, %logistic3A_137 : vector<1024x16xf32>
    %mul3A_139 = arith.mulf %add3A_132, %logistic3A_138 : vector<1024x16xf32>
    %add3A_140 = arith.addf %add3A_98, %mul3A_139 : vector<1024x16xf32>
    %get3A_141 = arith.constant 0 : index
    %get3A_142 = arith.constant 0 : index
    %get3A_143 = vector.load %arg8[%get3A_141, %get3A_142] : memref<144x256xf32, #tpu.memory_space<vmem>>, vector<128x256xf32>
    %dot_general3A_144 = arith.constant dense<0.000000e+00> : vector<1024x256xf32>
    %dot_general3A_145 = tpu.matmul %get3A_1, %get3A_143, %dot_general3A_144 {dimension_numbers = #tpu.dot_dimension_numbers<[1], [0], [0], [1], [0, 0, 1, 1], [], []>, transpose_lhs_hint = false} : vector<1024x128xf32>, vector<128x256xf32>, vector<1024x256xf32> -> vector<1024x256xf32>
    %get3A_146 = arith.constant 128 : index
    %get3A_147 = arith.constant 0 : index
    %get3A_148 = vector.load %arg8[%get3A_146, %get3A_147] : memref<144x256xf32, #tpu.memory_space<vmem>>, vector<16x256xf32>
    %dot_general3A_149 = arith.constant dense<0.000000e+00> : vector<1024x256xf32>
    %dot_general3A_150 = tpu.matmul %add3A_140, %get3A_148, %dot_general3A_149 {dimension_numbers = #tpu.dot_dimension_numbers<[1], [0], [0], [1], [0, 0, 1, 1], [], []>, transpose_lhs_hint = false} : vector<1024x16xf32>, vector<16x256xf32>, vector<1024x256xf32> -> vector<1024x256xf32>
    %add3A_151 = arith.addf %dot_general3A_145, %dot_general3A_150 : vector<1024x256xf32>
    %get3A_152 = arith.constant 0 : index
    %get3A_153 = vector.load %arg9[%get3A_152] : memref<256xf32, #tpu.memory_space<vmem>>, vector<256xf32>
    %broadcast_in_dim3A_154 = vector.shape_cast %get3A_153 : vector<256xf32> to vector<1x256xf32>
    %add3A_155 = vector.broadcast %broadcast_in_dim3A_154 : vector<1x256xf32> to vector<1024x256xf32>
    %add3A_156 = arith.addf %add3A_151, %add3A_155 : vector<1024x256xf32>
    %logistic3A_157 = arith.negf %add3A_156 : vector<1024x256xf32>
    %logistic3A_158 = math.exp %logistic3A_157 : vector<1024x256xf32>
    %logistic3A_159 = arith.constant 1.000000e+00 : f32
    %logistic3A_160 = vector.broadcast %logistic3A_159 : f32 to vector<1024x256xf32>
    %logistic3A_161 = arith.addf %logistic3A_160, %logistic3A_158 : vector<1024x256xf32>
    %logistic3A_162 = arith.divf %logistic3A_160, %logistic3A_161 : vector<1024x256xf32>
    %mul3A_163 = arith.mulf %add3A_156, %logistic3A_162 : vector<1024x256xf32>
    %get3A_164 = arith.constant 0 : index
    %get3A_165 = arith.constant 0 : index
    %get3A_166 = vector.load %arg10[%get3A_164, %get3A_165] : memref<256x128xf32, #tpu.memory_space<vmem>>, vector<256x128xf32>
    %dot_general3A_167 = arith.constant dense<0.000000e+00> : vector<1024x128xf32>
    %dot_general3A_168 = tpu.matmul %mul3A_163, %get3A_166, %dot_general3A_167 {dimension_numbers = #tpu.dot_dimension_numbers<[1], [0], [0], [1], [0, 0, 1, 1], [], []>, transpose_lhs_hint = false} : vector<1024x256xf32>, vector<256x128xf32>, vector<1024x128xf32> -> vector<1024x128xf32>
    %add3A_169 = arith.addf %get3A_1, %dot_general3A_168 : vector<1024x128xf32>
    %get3A_170 = arith.constant 0 : index
    %get3A_171 = vector.load %arg11[%get3A_170] : memref<128xf32, #tpu.memory_space<vmem>>, vector<128xf32>
    %broadcast_in_dim3A_172 = vector.shape_cast %get3A_171 : vector<128xf32> to vector<1x128xf32>
    %add3A_173 = vector.broadcast %broadcast_in_dim3A_172 : vector<1x128xf32> to vector<1024x128xf32>
    %add3A_174 = arith.addf %add3A_169, %add3A_173 : vector<1024x128xf32>
    %get3A_175 = arith.constant 0 : index
    %get3A_176 = arith.constant 0 : index
    %get3A_177 = vector.load %arg12[%get3A_175, %get3A_176] : memref<128x20xf32, #tpu.memory_space<vmem>>, vector<128x20xf32>
    %dot_general3A_178 = arith.constant dense<0.000000e+00> : vector<1024x20xf32>
    %dot_general3A_179 = tpu.matmul %add3A_174, %get3A_177, %dot_general3A_178 {dimension_numbers = #tpu.dot_dimension_numbers<[1], [0], [0], [1], [0, 0, 1, 1], [], []>, transpose_lhs_hint = false} : vector<1024x128xf32>, vector<128x20xf32>, vector<1024x20xf32> -> vector<1024x20xf32>
    %get3A_180 = arith.constant 0 : index
    %get3A_181 = vector.load %arg13[%get3A_180] : memref<20xf32, #tpu.memory_space<vmem>>, vector<20xf32>
    %broadcast_in_dim3A_182 = vector.shape_cast %get3A_181 : vector<20xf32> to vector<1x20xf32>
    %add3A_183 = vector.broadcast %broadcast_in_dim3A_182 : vector<1x20xf32> to vector<1024x20xf32>
    %add3A_184 = arith.addf %dot_general3A_179, %add3A_183 : vector<1024x20xf32>
    %swap3A = arith.constant 0 : index
    %swap3A_185 = arith.constant 0 : index
    %swap3A_186 = vector.load %arg14[%swap3A, %swap3A_185] : memref<1024x20xf32, #tpu.memory_space<vmem>>, vector<1024x20xf32>
    tpu.vector_store %arg14[%swap3A, %swap3A_185], %add3A_184 {strides = array<i32>} : memref<1024x20xf32, #tpu.memory_space<vmem>>, vector<1024x20xf32>,
    return
  }
  func.func @transform_0(%arg0: i32) -> (i32, i32) {
    %c0_i32 = arith.constant 0 : i32
    %c0_i32_0 = arith.constant 0 : i32
    return %arg0, %c0_i32 : i32, i32
  }
  func.func @transform_1(%arg0: i32) -> (i32, i32, i32) {
    %c0_i32 = arith.constant 0 : i32
    %c0_i32_0 = arith.constant 0 : i32
    %c0_i32_1 = arith.constant 0 : i32
    return %c0_i32, %arg0, %c0_i32_0 : i32, i32, i32
  }
  func.func @transform_2(%arg0: i32) -> (i32, i32, i32) {
    %c0_i32 = arith.constant 0 : i32
    %c0_i32_0 = arith.constant 0 : i32
    %c0_i32_1 = arith.constant 0 : i32
    return %c0_i32, %arg0, %c0_i32_0 : i32, i32, i32
  }
  func.func @transform_3(%arg0: i32) -> (i32, i32) {
    %c0_i32 = arith.constant 0 : i32
    %c0_i32_0 = arith.constant 0 : i32
    %c0_i32_1 = arith.constant 0 : i32
    return %c0_i32, %c0_i32_0 : i32, i32
  }
  func.func @transform_4(%arg0: i32) -> i32 {
    %c0_i32 = arith.constant 0 : i32
    %c0_i32_0 = arith.constant 0 : i32
    return %c0_i32 : i32
  }
  func.func @transform_5(%arg0: i32) -> (i32, i32) {
    %c0_i32 = arith.constant 0 : i32
    %c0_i32_0 = arith.constant 0 : i32
    %c0_i32_1 = arith.constant 0 : i32
    return %c0_i32, %c0_i32_0 : i32, i32
  }
  func.func @transform_6(%arg0: i32) -> i32 {
    %c0_i32 = arith.constant 0 : i32
    %c0_i32_0 = arith.constant 0 : i32
    return %c0_i32 : i32
  }
  func.func @transform_7(%arg0: i32) -> (i32, i32) {
    %c0_i32 = arith.constant 0 : i32
    %c0_i32_0 = arith.constant 0 : i32
    %c0_i32_1 = arith.constant 0 : i32
    return %c0_i32, %c0_i32_0 : i32, i32
  }
  func.func @transform_8(%arg0: i32) -> i32 {
    %c0_i32 = arith.constant 0 : i32
    %c0_i32_0 = arith.constant 0 : i32
    return %c0_i32 : i32
  }
  func.func @transform_9(%arg0: i32) -> (i32, i32) {
    %c0_i32 = arith.constant 0 : i32
    %c0_i32_0 = arith.constant 0 : i32
    %c0_i32_1 = arith.constant 0 : i32
    return %c0_i32, %c0_i32_0 : i32, i32
  }
  func.func @transform_10(%arg0: i32) -> i32 {
    %c0_i32 = arith.constant 0 : i32
    %c0_i32_0 = arith.constant 0 : i32
    return %c0_i32 : i32
  }
  func.func @transform_11(%arg0: i32) -> (i32, i32) {
    %c0_i32 = arith.constant 0 : i32
    %c0_i32_0 = arith.constant 0 : i32
    %c0_i32_1 = arith.constant 0 : i32
    return %c0_i32, %c0_i32_0 : i32, i32
  }
  func.func @transform_12(%arg0: i32) -> i32 {
    %c0_i32 = arith.constant 0 : i32
    %c0_i32_0 = arith.constant 0 : i32
    return %c0_i32 : i32
  }
  func.func @transform_13(%arg0: i32) -> (i32, i32) {
    %c0_i32 = arith.constant 0 : i32
    %c0_i32_0 = arith.constant 0 : i32
    return %arg0, %c0_i32 : i32, i32
  }
}

</mosaic_0001>

<sc_bundles>
// kernel: kernel.12.cloned.1.call-start
scs
__scs_entry_jumppad:
0x0: {  	(pc) =	sbr.rel $0x88, $3  }
0x1: {  	(tag) =	ssettag $0x0;
	lr =	simm.s32 $0x1  }
0x2: {  	[smem:$0x3F85] =	sst lr;
	_ =	strace $0xD0000000  }
0x3: {  	_ = 	snop  }
0x4: {  	_ = 	snop  }
0x5: {  	_ = 	snop  }
0x6: {  	_ = 	snop  }
0x7: {  	_ = 	snop  }
__scs_overlays_trampoline_lowered:
0x8: {  	[smem:$0x3F94] =	sst s0  }
0x9: {  	[smem:$0x3F95] =	sst s1  }
0xa: {  	[smem:$0x3F96] =	sst s2  }
0xb: {  	[smem:$0x3F97] =	sst s3  }
0xc: {  	[smem:$0x3F98] =	sst s4  }
0xd: {  	[smem:$0x3F99] =	sst s5  }
0xe: {  	[smem:$0x3F9A] =	sst s6  }
0xf: {  	[smem:$0x3F9B] =	sst s7  }
0x10: {  	[smem:$0x3F9C] =	sst s8  }
0x11: {  	[smem:$0x3F9D] =	sst s9;
	s0 =	simm.s32 @!p0 $0x0  }
0x12: {  	s1 =	sld [smem:$0x3F83];
	s0 =	simm.s32 @p0 $0x1  }
0x13: {  	[smem:$0x3F9E] =	sst s0;
	s0 =	simm.s32 @!p1 $0x0  }
0x14: {  	s2 =	sld [smem:$0x3F82];
	s0 =	simm.s32 @p1 $0x1  }
0x15: {  	[smem:$0x3F9F] =	sst s0;
	s0 =	simm.s32 @!p2 $0x0  }
0x16: {  	s3 =	sld [smem:$0x3FDB];
	s0 =	simm.s32 @p2 $0x1  }
0x17: {  	s4 =	simm.s32 $0x1BF5;
	[smem:$0x3FA1] =	sst s0  }
0x18: {  	s0 =	sld [smem:$0x3F84];
	_ =	swait.ge [sflag:s4], $0x0  }
0x19: {  	s7 =	sld [smem:$0x3F85]  }
0x1a: {  	s8 =	sadd.s32 $0xFFFFE003, lr  }
0x1b: {  	s9 =	sadd.s32 $0xFFFFFEF7, lr;
	s5 =	simm.s32 $0xFFFFFFFF;
	p2 =	slt.u32 s8, $0xFFFFF086  }
0x1c: {  	p1 =	slt.u32 s9, $0xF7A;
	s5 =	simm.s32 @!p2 $0x0  }
0x1d: {  	s5 =	simm.s32 @p1 $0x1;
	p0 =	seq.s32 s7, s2  }
0x1e: {  	s7 =	smul.u32 @!p0 $0xF7A, s2;
	p2 =	seq.s32 @!p0 s5, $0x0  }
0x1f: {  	s9 =	smul.u32 $0xF7A, s1;
	s8 =	simm.s32 @!p0 $0x1BF5;
	p2 =	por !p2, p0  }
0x20: {  	[sflag:s8] =	ssyncset.s32 @!p0 $0xFFFFF086;
	s6 =	sadd.s32 @!p0 s3, s7;
	s7 =	simm.s32 @!p0 $0x108  }
0x21: {  	s3 =	sadd.s32 s3, s9;
	s6 =	sadd.s32 @!p0 $0x88, s6;
	s7 =	simm.s32 @p2 $0x1082  }
0x22: {  	[simem:s7], [sflag:s8] =	dma.local @!p0 [hbm:s6], $0xF7A  }
0x23: {  	s9 =	sor.u32 $0xD0000000, s2;
	s6 =	simm.s32 $0x108;
	_ =	swait.ge @!p0 [sflag:s8], $0x0  }
0x24: {  	s3 =	sadd.s32 $0x88, s3;
	s6 =	simm.s32 @!p1 $0x1082;
	[sflag:s4] =	ssyncset.s32 $0xFFFFF086  }
0x25: {  	[simem:s6], [sflag:s4] =	dma.local [hbm:s3], $0xF7A  }
0x26: {  	[smem:$0x3F85] =	sst s1;
	(tag) =	ssettag s2;
	_ =	strace s9  }
0x27: {  	s1 =	sld [smem:$0x3F95]  }
0x28: {  	s2 =	sld [smem:$0x3F96]  }
0x29: {  	s4 =	sld [smem:$0x3F98]  }
0x2a: {  	p0 =	seq.s32 s5, $0x0;
	s5 =	sld [smem:$0x3F99]  }
0x2b: {  	s6 =	sld [smem:$0x3F9A]  }
0x2c: {  	s7 =	sld [smem:$0x3F9B]  }
0x2d: {  	s3 =	simm.s32 $0x108;
	s8 =	sld [smem:$0x3F9C]  }
0x2e: {  	s3 =	simm.s32 @!p0 $0x1082;
	s9 =	sld [smem:$0x3F9D]  }
0x2f: {  	lr =	sadd.s32 s0, s3;
	s0 =	sld [smem:$0x3F94]  }
0x30: {  	s3 =	sld [smem:$0x3F97]  }
0x31: {  	[smem:$0x3FA0] =	sst s10  }
0x32: {  	s10 =	sld [smem:$0x3F9E];
	_ =	sdelay $0x3  }
0x33: {  	p0 =	seq.s32 s10, $0x1;
	s10 =	sld [smem:$0x3FA0];
	_ =	sdelay $0x3  }
0x34: {  	[smem:$0x3FA0] =	sst s10  }
0x35: {  	s10 =	sld [smem:$0x3F9F];
	_ =	sdelay $0x3  }
0x36: {  	p1 =	seq.s32 s10, $0x1;
	s10 =	sld [smem:$0x3FA0];
	_ =	sdelay $0x3  }
0x37: {  	[smem:$0x3FA0] =	sst s10  }
0x38: {  	s10 =	sld [smem:$0x3FA1]  }
0x39: {  	_ = 	snop;
	(pc) =	sbr.ind lr, $3  }
0x3a: {  	_ = 	snop  }
0x3b: {  	_ = 	snop  }
0x3c: {  	p2 =	seq.s32 s10, $0x1;
	s10 =	sld [smem:$0x3FA0]  }
0x3d: {  	_ =	shalt  }
0x3e: {  	_ =	shalt  }
0x3f: {  	_ =	shalt  }
0x40: {  	_ =	shalt  }
0x41: {  	_ =	shalt  }
0x42: {  	_ =	shalt  }
0x43: {  	_ =	shalt  }
0x44: {  	_ =	shalt  }
0x45: {  	_ =	shalt  }
0x46: {  	_ =	shalt  }
0x47: {  	_ =	shalt  }
0x48: {  	_ =	shalt  }
0x49: {  	_ =	shalt  }
0x4a: {  	_ =	shalt  }
0x4b: {  	_ =	shalt  }
0x4c: {  	_ =	shalt  }
0x4d: {  	_ =	shalt  }
0x4e: {  	_ =	shalt  }
0x4f: {  	_ =	shalt  }
0x50: {  	_ =	shalt  }
0x51: {  	_ =	shalt  }
0x52: {  	_ =	shalt  }
0x53: {  	_ =	shalt  }
0x54: {  	_ =	shalt  }
0x55: {  	_ =	shalt  }
0x56: {  	_ =	shalt  }
0x57: {  	_ =	shalt  }
0x58: {  	_ =	shalt  }
0x59: {  	_ =	shalt  }
0x5a: {  	_ =	shalt  }
0x5b: {  	_ =	shalt  }
0x5c: {  	_ =	shalt  }
0x5d: {  	_ =	shalt  }
0x5e: {  	_ =	shalt  }
0x5f: {  	_ =	shalt  }
0x60: {  	_ =	shalt  }
0x61: {  	_ =	shalt  }
0x62: {  	_ =	shalt  }
0x63: {  	_ =	shalt  }
0x64: {  	_ =	shalt  }
0x65: {  	_ =	shalt  }
0x66: {  	_ =	shalt  }
0x67: {  	_ =	shalt  }
0x68: {  	_ =	shalt  }
0x69: {  	_ =	shalt  }
0x6a: {  	_ =	shalt  }
0x6b: {  	_ =	shalt  }
0x6c: {  	_ =	shalt  }
0x6d: {  	_ =	shalt  }
0x6e: {  	_ =	shalt  }
0x6f: {  	_ =	shalt  }
0x70: {  	_ =	shalt  }
0x71: {  	_ =	shalt  }
0x72: {  	_ =	shalt  }
0x73: {  	_ =	shalt  }
0x74: {  	_ =	shalt  }
0x75: {  	_ =	shalt  }
0x76: {  	_ =	shalt  }
0x77: {  	_ =	shalt  }
0x78: {  	_ =	shalt  }
0x79: {  	_ =	shalt  }
0x7a: {  	_ =	shalt  }
0x7b: {  	_ =	shalt  }
0x7c: {  	_ =	shalt  }
0x7d: {  	_ =	shalt  }
0x7e: {  	_ =	shalt  }
0x7f: {  	_ =	shalt  }
0x80: {  	_ =	shalt  }
0x81: {  	_ =	shalt  }
0x82: {  	_ =	shalt  }
0x83: {  	_ =	shalt  }
0x84: {  	_ =	shalt  }
0x85: {  	_ =	shalt  }
0x86: {  	_ =	shalt  }
0x87: {  	_ =	shalt  }
.Lfunc_end0:
.L_simem_size_0:
called_computation.1_lowered:
.L_overlay_start_0:
0x88: {  	s2 =	sld [smem:$0x3FD9]  }
0x89: {  	s3 =	sld [smem:$0x3FFE];
	_ =	sdelay $0x1  }
0x8a: {  	s1 =	srdreg.scid  }
0x8b: {  	s0 =	sand.u32 $0x1, s1  }
0x8c: {  	s17 =	sshll.u32 s0, $0xA;
	s2 =	sadd.s32 s3, s2  }
0x8d: {  	s2 =	sadd.s32 s2, s17  }
0x8e: {  	[smem:$0x3FAC] =	sst s2  }
0x8f: {  	_ = 	snop  }
0x90: {  	s2 =	sld [smem:$0x3FD0];
	(tm) =	ssettm $0x1  }
0x91: {  	s18 =	sld [smem:$0x3FFB];
	_ =	sdelay $0x3  }
0x92: {  	_ =	strace s18  }
0x93: {  	s3 =	sld [smem:$0x3FFC];
	_ =	sdelay $0x3  }
0x94: {  	_ =	strace s3  }
0x95: {  	s3 =	sld [smem:$0x3FFD];
	_ =	sdelay $0x3  }
0x96: {  	_ =	strace s3  }
0x97: {  	_ =	strace $0x8FFFFFFF  }
0x98: {  	s19 =	sld [smem:$0x3FDB];
	_ =	sdelay $0x1  }
0x99: {  	s4 =	simm.s32 $_scs_section_size  }
0x9a: {  	s5 =	simm.s32 $_size__tile_overlayer_lowered;
	s6 =	simm.s32 $_tile_overlayer_lowered  }
0x9b: {  	s22 =	simm.s32 $0x1BFF;
	s21 =	sshll.u32 s6, $0x1;
	s3 =	sadd.s32 s4, s19  }
0x9c: {  	s7 =	simm.s32 $0x0;
	s20 =	sshll.u32 s5, $0x1;
	s5 =	sadd.s32 s21, s3  }
0x9d: {  	[timem:s7], [sflag:s22] =	dma.local [hbm:s5], s20  }
0x9e: {  	_ =	swait.ge [sflag:s22], s20  }
0x9f: {  	s4 =	ssub.s32 $0x0, s20;
	[sflag:s22] =	ssyncset.done $0x0  }
0xa0: {  	[sflag:s22] =	ssyncadd.s32 s4;
	_ =	sdelay $0x1  }
0xa1: {  	s23 =	simm.s32 $0x1B8B  }
0xa2: {  	_ =	swait.ge [sflag:s23], $0x1  }
0xa3: {  	[sflag:s23] =	ssyncset.done $0x0  }
0xa4: {  	s25 =	simm.s32 $0x1B8E;
	s24 =	sld [smem:$0x3FFE];
	[sflag:s23] =	ssyncadd.s32 $0xFFFFFFFF  }
0xa5: {  	s26 =	simm.s32 $execute0_lowered;
	[smem:$0x3FD2] =	sst s25  }
0xa6: {  	s5 =	sshll.u32 s26, $0x1;
	_ =	strace $0x80000049;
	[dreg:$0x1] =	wrdreg $0xFFFFFFFF  }
0xa7: {  	s28 =	simm.s32 $_size_execute0_lowered;
	s3 =	sadd.s32 s3, s5;
	[dreg:$0x0] =	wrdreg $0x0  }
0xa8: {  	s5 =	sshll.u32 s28, $0x1;
	[dreg:$0x2] =	wrdreg s3  }
0xa9: {  	[dreg:$0x3] =	wrdreg s5  }
0xaa: {  	[dreg:$0x4] =	wrdreg $0xC0  }
0xab: {  	_ =	task [dreg:s7], $0x5FFFF  }
0xac: {  	[dreg:$0x1] =	wrdreg $0xFFFFFFFF  }
0xad: {  	[dreg:$0x0] =	wrdreg $0x60  }
0xae: {  	[dreg:$0x2] =	wrdreg s24  }
0xaf: {  	[dreg:$0x3] =	wrdreg s2  }
0xb0: {  	[dreg:$0x4] =	wrdreg $0x9  }
0xb1: {  	_ =	task.clear_ibuf [dreg:s7], $0x5FFFF;
	_ =	strace $0x90000049  }
0xb2: {  	s29 =	simm.s32 $0x9;
	_ =	strace $0x8000004B  }
0xb3: {  	_ =	swait.ge [sflag:s29], $0x1  }
0xb4: {  	[sflag:s29] =	ssyncadd.s32 $0xFFFFFFFF  }
0xb5: {  	_ =	strace $0x9000004B  }
0xb6: {  	_ =	sfence  }
0xb7: {  	s30 =	sld [smem:$0x0];
	_ =	sdelay $0x2  }
0xb8: {  	s31 =	sshll.u32 s1, $0xD;
	s1 =	sshrl.u32 s1, $0x2  }
0xb9: {  	s3 =	sand.u32 $0x4000, s31;
	s1 =	sadd.s32 s1, s30  }
0xba: {  	s0 =	sor.u32 s3, s0;
	s1 =	sshll.u32 s1, $0x11  }
0xbb: {  	s0 =	sor.u32 s1, s0  }
0xbc: {  	s0 =	sadd.s32 $0x8F2B, s0  }
0xbd: {  	[sflag:s0] =	ssyncadd.remote.s32 $0x1  }
0xbe: {  	_ =	sfence.sel $0xFFFF  }
0xbf: {  	[dreg:$0x0] =	wrdreg $0xFFFFFFFF;
	(pc) =	sbr.abs _section_cstart, $3  }
0xc0: {  	[dreg:$0x1] =	wrdreg $0xFFFFFFFF  }
0xc1: {  	_ =	task.clear_ibuf [dreg:s7], $0x2FFFF;
	_ =	strace $0x9FFFFFFF  }
0xc2: {  	(tm) =	ssettm $0x7FFFFFFF  }
0xc3: {  	_ =	shalt  }
tec
execute0_lowered:
.L_overlay_start_1:
0x0: {  	(tag) =	ssettag $0x1  }
0x1: {  	s1 =	srdreg.scid  }
0x2: {  	s0 =	stileid.u32;
	s9 =	rddreg [dreg:$0x0]  }
0x3: {  	s3 =	rddreg [dreg:$0x1];
	s6 =	sand.u32 $0x1, s1;
	s30 =	sshll.u32 s0, $0x1  }
0x4: {  	s2 =	simm.s32 $0x0;
	s1 =	rddreg [dreg:$0x2];
	s7 =	sor.u32 s6, s30  }
0x5: {  	s8 =	simm.s32 $0x1;
	[smem:$0x7FF] =	sst s2;
	s4 =	smul.u32 $0x18, s7  }
0x6: {  	s5 =	sadd.s32 $0x5200, s9;
	_ =	strace $0x8000004A;
	s11 =	ssub.s32 $0x2, s6  }
0x7: {  	s6 =	simm.s32 $0xC0;
	s4 =	sadd.s32 s3, s4;
	s3 =	simm.s32 $0x2  }
0x8: {  	[tilespmem:s2], [sflag:$0x2] =	stream.linear.gather [hbm4b:s4+s2], $0xC0, $0x38;
	[tilespmem:$0x6100] =	vst v63  }
0x9: {  	s10 =	smul.u32 $0xC00, s7;
	s12 =	sshrl.u32 s11, $0x1;
	_ =	swait.ge [sflag:s3], $0xC0  }
0xa: {  	s7 =	simm.s32 $0x100;
	s31 =	ssub.s32 s11, s12;
	[sflag:s3] =	ssyncset.done $0x0  }
0xb: {  	s9 =	sadd.s32 s10, s9;
	s10 =	smax.u32 s31, $0x1;
	[sflag:s3] =	ssyncadd.s32 $0xFFFFFF40  }
0xc: {  	[tilespmem:s7], [sflag:$0x1] =	stream.indirect.gather [hbm4b:s5+s6], $0x80, s2, s6, $0xb8;
	[tilespmem:$0x6100] =	vst v63  }
0xd: {  	p0 =	sne.s32 s10, $0x1;
	_ =	swait.ge [sflag:s8], $0x6000  }
.Ltmp0:
0xe: {  	[sflag:s8] =	ssyncset.done $0x0;
	(pc) =	sbr.rel @!p0 .LBB2_2-.Ltmp0, $4  }
0xf: {  	s9 =	sadd.s32 $0xD200, s9;
	[sflag:s8] =	ssyncadd.s32 $0xFFFFA000  }
0x10: {  	[hbm4b:s9+s2] =	stream.linear.scatter [tilespmem:s7], [sflag:$0x2], $0x6000, $0x38;
	[tilespmem:$0x6100] =	vst v63  }
0x11: {  	_ =	swait.ge [sflag:s3], $0x6000  }
0x12: {  	s10 =	sadd.s32 $0xFFFFFFFF, s10;
	[sflag:s3] =	ssyncset.done $0x0  }
.LBB2_1:
0x13: {  	p0 =	sne.s32 s10, $0x1;
	s10 =	sadd.s32 $0xFFFFFFFF, s10;
	[sflag:s3] =	ssyncadd.s32 $0xFFFFA000  }
0x14: {  	[tilespmem:s2], [sflag:$0x2] =	stream.linear.gather [hbm4b:s4+s2], $0xC0, $0x38;
	[tilespmem:$0x6100] =	vst v63  }
0x15: {  	_ =	swait.ge [sflag:s3], $0xC0  }
0x16: {  	[sflag:s3] =	ssyncset.done $0x0  }
0x17: {  	[sflag:s3] =	ssyncadd.s32 $0xFFFFFF40  }
0x18: {  	[tilespmem:s7], [sflag:$0x1] =	stream.indirect.gather [hbm4b:s5+s6], $0x80, s2, s6, $0xb8;
	[tilespmem:$0x6100] =	vst v63  }
0x19: {  	_ =	swait.ge [sflag:s8], $0x6000  }
.Ltmp1:
0x1a: {  	[sflag:s8] =	ssyncset.done $0x0;
	(pc) =	sbr.rel @p0 .LBB2_1-.Ltmp1, $4  }
0x1b: {  	[sflag:s8] =	ssyncadd.s32 $0xFFFFA000  }
0x1c: {  	[hbm4b:s9+s2] =	stream.linear.scatter [tilespmem:s7], [sflag:$0x2], $0x6000, $0x38;
	[tilespmem:$0x6100] =	vst v63  }
0x1d: {  	_ =	swait.ge [sflag:s3], $0x6000  }
0x1e: {  	[sflag:s3] =	ssyncset.done $0x0  }
.LBB2_2:
0x1f: {  	[sflag:s3] =	ssyncadd.s32 $0xFFFFA000  }
0x20: {  	_ =	sfence.sel $0x180000  }
0x21: {  	[bflag:$0x0] =	sbarrier.arrive $0xFFFF  }
0x22: {  	p0 =	sne.s32 s0, $0x0;
	_ =	strace $0x9000004A  }
0x23: {  	s0 =	sadd.s32 @!p0 $0x100000, s1;
	[bflag:$0x2] =	sbarrier.arrive $0xFFFF  }
0x24: {  	[sflag:s0] =	ssyncadd.tile.s32 @!p0 $0x1;
	_ =	shalt  }
.Lfunc_end2:
_tile_overlayer_lowered:
.L_overlay_start_2:
0x25: {  	(tag) =	ssettag $0x2  }
0x26: {  	s0 =	rddreg [dreg:$0x0];
	s2 =	stileid.u32  }
0x27: {  	s1 =	rddreg [dreg:$0x1];
	p0 =	sne.s32 s2, $0x0  }
0x28: {  	s3 =	rddreg [dreg:$0x2];
	[bflag:$0x3] =	sbarrier.arrive $0xFFFF;
	s2 =	simm.s32 @!p0 $0x1C02  }
0x29: {  	[timem:s3], [sflag:s2] =	dma.local @!p0 [hbm:s0], s1  }
0x2a: {  	s0 =	simm.s32 @!p0 $0x2  }
0x2b: {  	_ =	swait.ge @!p0 [sflag:s0], s1  }
0x2c: {  	s1 =	ssub.s32 @!p0 $0x0, s1;
	[sflag:s0] =	ssyncset.done @!p0 $0x0  }
0x2d: {  	[sflag:s0] =	ssyncadd.s32 @!p0 s1  }
0x2e: {  	[bflag:$0x3] =	sbarrier.arrive $0xFFFF  }
0x2f: {  	_ =	shalt  }

// kernel: kernel.15.cloned.1.call-start
scs
__scs_entry_jumppad:
0x0: {  	(pc) =	sbr.rel $0x88, $3  }
0x1: {  	(tag) =	ssettag $0x0;
	lr =	simm.s32 $0x1  }
0x2: {  	[smem:$0x3F85] =	sst lr;
	_ =	strace $0xD0000000  }
0x3: {  	_ = 	snop  }
0x4: {  	_ = 	snop  }
0x5: {  	_ = 	snop  }
0x6: {  	_ = 	snop  }
0x7: {  	_ = 	snop  }
__scs_overlays_trampoline_lowered:
0x8: {  	[smem:$0x3F94] =	sst s0  }
0x9: {  	[smem:$0x3F95] =	sst s1  }
0xa: {  	[smem:$0x3F96] =	sst s2  }
0xb: {  	[smem:$0x3F97] =	sst s3  }
0xc: {  	[smem:$0x3F98] =	sst s4  }
0xd: {  	[smem:$0x3F99] =	sst s5  }
0xe: {  	[smem:$0x3F9A] =	sst s6  }
0xf: {  	[smem:$0x3F9B] =	sst s7  }
0x10: {  	[smem:$0x3F9C] =	sst s8  }
0x11: {  	[smem:$0x3F9D] =	sst s9;
	s0 =	simm.s32 @!p0 $0x0  }
0x12: {  	s1 =	sld [smem:$0x3F83];
	s0 =	simm.s32 @p0 $0x1  }
0x13: {  	[smem:$0x3F9E] =	sst s0;
	s0 =	simm.s32 @!p1 $0x0  }
0x14: {  	s2 =	sld [smem:$0x3F82];
	s0 =	simm.s32 @p1 $0x1  }
0x15: {  	[smem:$0x3F9F] =	sst s0;
	s0 =	simm.s32 @!p2 $0x0  }
0x16: {  	s3 =	sld [smem:$0x3FDB];
	s0 =	simm.s32 @p2 $0x1  }
0x17: {  	s4 =	simm.s32 $0x1BF5;
	[smem:$0x3FA1] =	sst s0  }
0x18: {  	s0 =	sld [smem:$0x3F84];
	_ =	swait.ge [sflag:s4], $0x0  }
0x19: {  	s7 =	sld [smem:$0x3F85]  }
0x1a: {  	s8 =	sadd.s32 $0xFFFFE003, lr  }
0x1b: {  	s9 =	sadd.s32 $0xFFFFFEF7, lr;
	s5 =	simm.s32 $0xFFFFFFFF;
	p2 =	slt.u32 s8, $0xFFFFF086  }
0x1c: {  	p1 =	slt.u32 s9, $0xF7A;
	s5 =	simm.s32 @!p2 $0x0  }
0x1d: {  	s5 =	simm.s32 @p1 $0x1;
	p0 =	seq.s32 s7, s2  }
0x1e: {  	s7 =	smul.u32 @!p0 $0xF7A, s2;
	p2 =	seq.s32 @!p0 s5, $0x0  }
0x1f: {  	s9 =	smul.u32 $0xF7A, s1;
	s8 =	simm.s32 @!p0 $0x1BF5;
	p2 =	por !p2, p0  }
0x20: {  	[sflag:s8] =	ssyncset.s32 @!p0 $0xFFFFF086;
	s6 =	sadd.s32 @!p0 s3, s7;
	s7 =	simm.s32 @!p0 $0x108  }
0x21: {  	s3 =	sadd.s32 s3, s9;
	s6 =	sadd.s32 @!p0 $0x88, s6;
	s7 =	simm.s32 @p2 $0x1082  }
0x22: {  	[simem:s7], [sflag:s8] =	dma.local @!p0 [hbm:s6], $0xF7A  }
0x23: {  	s9 =	sor.u32 $0xD0000000, s2;
	s6 =	simm.s32 $0x108;
	_ =	swait.ge @!p0 [sflag:s8], $0x0  }
0x24: {  	s3 =	sadd.s32 $0x88, s3;
	s6 =	simm.s32 @!p1 $0x1082;
	[sflag:s4] =	ssyncset.s32 $0xFFFFF086  }
0x25: {  	[simem:s6], [sflag:s4] =	dma.local [hbm:s3], $0xF7A  }
0x26: {  	[smem:$0x3F85] =	sst s1;
	(tag) =	ssettag s2;
	_ =	strace s9  }
0x27: {  	s1 =	sld [smem:$0x3F95]  }
0x28: {  	s2 =	sld [smem:$0x3F96]  }
0x29: {  	s4 =	sld [smem:$0x3F98]  }
0x2a: {  	p0 =	seq.s32 s5, $0x0;
	s5 =	sld [smem:$0x3F99]  }
0x2b: {  	s6 =	sld [smem:$0x3F9A]  }
0x2c: {  	s7 =	sld [smem:$0x3F9B]  }
0x2d: {  	s3 =	simm.s32 $0x108;
	s8 =	sld [smem:$0x3F9C]  }
0x2e: {  	s3 =	simm.s32 @!p0 $0x1082;
	s9 =	sld [smem:$0x3F9D]  }
0x2f: {  	lr =	sadd.s32 s0, s3;
	s0 =	sld [smem:$0x3F94]  }
0x30: {  	s3 =	sld [smem:$0x3F97]  }
0x31: {  	[smem:$0x3FA0] =	sst s10  }
0x32: {  	s10 =	sld [smem:$0x3F9E];
	_ =	sdelay $0x3  }
0x33: {  	p0 =	seq.s32 s10, $0x1;
	s10 =	sld [smem:$0x3FA0];
	_ =	sdelay $0x3  }
0x34: {  	[smem:$0x3FA0] =	sst s10  }
0x35: {  	s10 =	sld [smem:$0x3F9F];
	_ =	sdelay $0x3  }
0x36: {  	p1 =	seq.s32 s10, $0x1;
	s10 =	sld [smem:$0x3FA0];
	_ =	sdelay $0x3  }
0x37: {  	[smem:$0x3FA0] =	sst s10  }
0x38: {  	s10 =	sld [smem:$0x3FA1]  }
0x39: {  	_ = 	snop;
	(pc) =	sbr.ind lr, $3  }
0x3a: {  	_ = 	snop  }
0x3b: {  	_ = 	snop  }
0x3c: {  	p2 =	seq.s32 s10, $0x1;
	s10 =	sld [smem:$0x3FA0]  }
0x3d: {  	_ =	shalt  }
0x3e: {  	_ =	shalt  }
0x3f: {  	_ =	shalt  }
0x40: {  	_ =	shalt  }
0x41: {  	_ =	shalt  }
0x42: {  	_ =	shalt  }
0x43: {  	_ =	shalt  }
0x44: {  	_ =	shalt  }
0x45: {  	_ =	shalt  }
0x46: {  	_ =	shalt  }
0x47: {  	_ =	shalt  }
0x48: {  	_ =	shalt  }
0x49: {  	_ =	shalt  }
0x4a: {  	_ =	shalt  }
0x4b: {  	_ =	shalt  }
0x4c: {  	_ =	shalt  }
0x4d: {  	_ =	shalt  }
0x4e: {  	_ =	shalt  }
0x4f: {  	_ =	shalt  }
0x50: {  	_ =	shalt  }
0x51: {  	_ =	shalt  }
0x52: {  	_ =	shalt  }
0x53: {  	_ =	shalt  }
0x54: {  	_ =	shalt  }
0x55: {  	_ =	shalt  }
0x56: {  	_ =	shalt  }
0x57: {  	_ =	shalt  }
0x58: {  	_ =	shalt  }
0x59: {  	_ =	shalt  }
0x5a: {  	_ =	shalt  }
0x5b: {  	_ =	shalt  }
0x5c: {  	_ =	shalt  }
0x5d: {  	_ =	shalt  }
0x5e: {  	_ =	shalt  }
0x5f: {  	_ =	shalt  }
0x60: {  	_ =	shalt  }
0x61: {  	_ =	shalt  }
0x62: {  	_ =	shalt  }
0x63: {  	_ =	shalt  }
0x64: {  	_ =	shalt  }
0x65: {  	_ =	shalt  }
0x66: {  	_ =	shalt  }
0x67: {  	_ =	shalt  }
0x68: {  	_ =	shalt  }
0x69: {  	_ =	shalt  }
0x6a: {  	_ =	shalt  }
0x6b: {  	_ =	shalt  }
0x6c: {  	_ =	shalt  }
0x6d: {  	_ =	shalt  }
0x6e: {  	_ =	shalt  }
0x6f: {  	_ =	shalt  }
0x70: {  	_ =	shalt  }
0x71: {  	_ =	shalt  }
0x72: {  	_ =	shalt  }
0x73: {  	_ =	shalt  }
0x74: {  	_ =	shalt  }
0x75: {  	_ =	shalt  }
0x76: {  	_ =	shalt  }
0x77: {  	_ =	shalt  }
0x78: {  	_ =	shalt  }
0x79: {  	_ =	shalt  }
0x7a: {  	_ =	shalt  }
0x7b: {  	_ =	shalt  }
0x7c: {  	_ =	shalt  }
0x7d: {  	_ =	shalt  }
0x7e: {  	_ =	shalt  }
0x7f: {  	_ =	shalt  }
0x80: {  	_ =	shalt  }
0x81: {  	_ =	shalt  }
0x82: {  	_ =	shalt  }
0x83: {  	_ =	shalt  }
0x84: {  	_ =	shalt  }
0x85: {  	_ =	shalt  }
0x86: {  	_ =	shalt  }
0x87: {  	_ =	shalt  }
.Lfunc_end0:
.L_simem_size_0:
called_computation.2_lowered:
.L_overlay_start_0:
0x88: {  	s2 =	sld [smem:$0x3FD9]  }
0x89: {  	s3 =	sld [smem:$0x3FFE];
	_ =	sdelay $0x1  }
0x8a: {  	s1 =	srdreg.scid  }
0x8b: {  	s0 =	sand.u32 $0x1, s1  }
0x8c: {  	s17 =	sshll.u32 s0, $0xA;
	s2 =	sadd.s32 s3, s2  }
0x8d: {  	s2 =	sadd.s32 s2, s17  }
0x8e: {  	[smem:$0x3FAC] =	sst s2  }
0x8f: {  	_ = 	snop  }
0x90: {  	s2 =	sld [smem:$0x3FD0];
	(tm) =	ssettm $0x1  }
0x91: {  	s18 =	sld [smem:$0x3FFB];
	_ =	sdelay $0x3  }
0x92: {  	_ =	strace s18  }
0x93: {  	s3 =	sld [smem:$0x3FFC];
	_ =	sdelay $0x3  }
0x94: {  	_ =	strace s3  }
0x95: {  	s3 =	sld [smem:$0x3FFD];
	_ =	sdelay $0x3  }
0x96: {  	_ =	strace s3  }
0x97: {  	_ =	strace $0x8FFFFFFF  }
0x98: {  	s19 =	sld [smem:$0x3FDB];
	_ =	sdelay $0x1  }
0x99: {  	s4 =	simm.s32 $_scs_section_size  }
0x9a: {  	s5 =	simm.s32 $_size__tile_overlayer_lowered;
	s6 =	simm.s32 $_tile_overlayer_lowered  }
0x9b: {  	s22 =	simm.s32 $0x1BFF;
	s21 =	sshll.u32 s6, $0x1;
	s3 =	sadd.s32 s4, s19  }
0x9c: {  	s7 =	simm.s32 $0x0;
	s20 =	sshll.u32 s5, $0x1;
	s5 =	sadd.s32 s21, s3  }
0x9d: {  	[timem:s7], [sflag:s22] =	dma.local [hbm:s5], s20  }
0x9e: {  	_ =	swait.ge [sflag:s22], s20  }
0x9f: {  	s4 =	ssub.s32 $0x0, s20;
	[sflag:s22] =	ssyncset.done $0x0  }
0xa0: {  	[sflag:s22] =	ssyncadd.s32 s4;
	_ =	sdelay $0x1  }
0xa1: {  	s23 =	simm.s32 $0x1B8B  }
0xa2: {  	_ =	swait.ge [sflag:s23], $0x1  }
0xa3: {  	[sflag:s23] =	ssyncset.done $0x0  }
0xa4: {  	s25 =	simm.s32 $0x1B8E;
	s24 =	sld [smem:$0x3FFE];
	[sflag:s23] =	ssyncadd.s32 $0xFFFFFFFF  }
0xa5: {  	s26 =	simm.s32 $execute0_lowered;
	[smem:$0x3FD2] =	sst s25  }
0xa6: {  	s5 =	sshll.u32 s26, $0x1;
	_ =	strace $0x8000004C;
	[dreg:$0x1] =	wrdreg $0xFFFFFFFF  }
0xa7: {  	s28 =	simm.s32 $_size_execute0_lowered;
	s3 =	sadd.s32 s3, s5;
	[dreg:$0x0] =	wrdreg $0x0  }
0xa8: {  	s5 =	sshll.u32 s28, $0x1;
	[dreg:$0x2] =	wrdreg s3  }
0xa9: {  	[dreg:$0x3] =	wrdreg s5  }
0xaa: {  	[dreg:$0x4] =	wrdreg $0xC0  }
0xab: {  	_ =	task [dreg:s7], $0x5FFFF  }
0xac: {  	[dreg:$0x1] =	wrdreg $0xFFFFFFFF  }
0xad: {  	[dreg:$0x0] =	wrdreg $0x60  }
0xae: {  	[dreg:$0x2] =	wrdreg s24  }
0xaf: {  	[dreg:$0x3] =	wrdreg s2  }
0xb0: {  	[dreg:$0x4] =	wrdreg $0x9  }
0xb1: {  	_ =	task.clear_ibuf [dreg:s7], $0x5FFFF;
	_ =	strace $0x9000004C  }
0xb2: {  	s29 =	simm.s32 $0x9;
	_ =	strace $0x8000004E  }
0xb3: {  	_ =	swait.ge [sflag:s29], $0x1  }
0xb4: {  	[sflag:s29] =	ssyncadd.s32 $0xFFFFFFFF  }
0xb5: {  	_ =	strace $0x9000004E  }
0xb6: {  	_ =	sfence  }
0xb7: {  	s30 =	sld [smem:$0x0];
	_ =	sdelay $0x2  }
0xb8: {  	s31 =	sshll.u32 s1, $0xD;
	s1 =	sshrl.u32 s1, $0x2  }
0xb9: {  	s3 =	sand.u32 $0x4000, s31;
	s1 =	sadd.s32 s1, s30  }
0xba: {  	s0 =	sor.u32 s3, s0;
	s1 =	sshll.u32 s1, $0x11  }
0xbb: {  	s0 =	sor.u32 s1, s0  }
0xbc: {  	s0 =	sadd.s32 $0x8F2B, s0  }
0xbd: {  	[sflag:s0] =	ssyncadd.remote.s32 $0x1  }
0xbe: {  	_ =	sfence.sel $0xFFFF  }
0xbf: {  	[dreg:$0x0] =	wrdreg $0xFFFFFFFF;
	(pc) =	sbr.abs _section_cstart, $3  }
0xc0: {  	[dreg:$0x1] =	wrdreg $0xFFFFFFFF  }
0xc1: {  	_ =	task.clear_ibuf [dreg:s7], $0x2FFFF;
	_ =	strace $0x9FFFFFFF  }
0xc2: {  	(tm) =	ssettm $0x7FFFFFFF  }
0xc3: {  	_ =	shalt  }
tec
execute0_lowered:
.L_overlay_start_1:
0x0: {  	(tag) =	ssettag $0x1  }
0x1: {  	s1 =	srdreg.scid  }
0x2: {  	s0 =	stileid.u32;
	s9 =	rddreg [dreg:$0x0]  }
0x3: {  	s3 =	rddreg [dreg:$0x1];
	s6 =	sand.u32 $0x1, s1;
	s30 =	sshll.u32 s0, $0x1  }
0x4: {  	s2 =	simm.s32 $0x0;
	s1 =	rddreg [dreg:$0x2];
	s7 =	sor.u32 s6, s30  }
0x5: {  	s8 =	simm.s32 $0x1;
	[smem:$0x7FF] =	sst s2;
	s4 =	smul.u32 $0x18, s7  }
0x6: {  	s5 =	sadd.s32 $0x5200, s9;
	_ =	strace $0x8000004D;
	s11 =	ssub.s32 $0x2, s6  }
0x7: {  	s6 =	simm.s32 $0xC0;
	s4 =	sadd.s32 s3, s4;
	s3 =	simm.s32 $0x2  }
0x8: {  	[tilespmem:s2], [sflag:$0x2] =	stream.linear.gather [hbm4b:s4+s2], $0xC0, $0x38;
	[tilespmem:$0x6100] =	vst v63  }
0x9: {  	s10 =	smul.u32 $0xC00, s7;
	s12 =	sshrl.u32 s11, $0x1;
	_ =	swait.ge [sflag:s3], $0xC0  }
0xa: {  	s7 =	simm.s32 $0x100;
	s31 =	ssub.s32 s11, s12;
	[sflag:s3] =	ssyncset.done $0x0  }
0xb: {  	s9 =	sadd.s32 s10, s9;
	s10 =	smax.u32 s31, $0x1;
	[sflag:s3] =	ssyncadd.s32 $0xFFFFFF40  }
0xc: {  	[tilespmem:s7], [sflag:$0x1] =	stream.indirect.gather [hbm4b:s5+s6], $0x80, s2, s6, $0xb8;
	[tilespmem:$0x6100] =	vst v63  }
0xd: {  	p0 =	sne.s32 s10, $0x1;
	_ =	swait.ge [sflag:s8], $0x6000  }
.Ltmp0:
0xe: {  	[sflag:s8] =	ssyncset.done $0x0;
	(pc) =	sbr.rel @!p0 .LBB2_2-.Ltmp0, $4  }
0xf: {  	s9 =	sadd.s32 $0xD200, s9;
	[sflag:s8] =	ssyncadd.s32 $0xFFFFA000  }
0x10: {  	[hbm4b:s9+s2] =	stream.linear.scatter [tilespmem:s7], [sflag:$0x2], $0x6000, $0x38;
	[tilespmem:$0x6100] =	vst v63  }
0x11: {  	_ =	swait.ge [sflag:s3], $0x6000  }
0x12: {  	s10 =	sadd.s32 $0xFFFFFFFF, s10;
	[sflag:s3] =	ssyncset.done $0x0  }
.LBB2_1:
0x13: {  	p0 =	sne.s32 s10, $0x1;
	s10 =	sadd.s32 $0xFFFFFFFF, s10;
	[sflag:s3] =	ssyncadd.s32 $0xFFFFA000  }
0x14: {  	[tilespmem:s2], [sflag:$0x2] =	stream.linear.gather [hbm4b:s4+s2], $0xC0, $0x38;
	[tilespmem:$0x6100] =	vst v63  }
0x15: {  	_ =	swait.ge [sflag:s3], $0xC0  }
0x16: {  	[sflag:s3] =	ssyncset.done $0x0  }
0x17: {  	[sflag:s3] =	ssyncadd.s32 $0xFFFFFF40  }
0x18: {  	[tilespmem:s7], [sflag:$0x1] =	stream.indirect.gather [hbm4b:s5+s6], $0x80, s2, s6, $0xb8;
	[tilespmem:$0x6100] =	vst v63  }
0x19: {  	_ =	swait.ge [sflag:s8], $0x6000  }
.Ltmp1:
0x1a: {  	[sflag:s8] =	ssyncset.done $0x0;
	(pc) =	sbr.rel @p0 .LBB2_1-.Ltmp1, $4  }
0x1b: {  	[sflag:s8] =	ssyncadd.s32 $0xFFFFA000  }
0x1c: {  	[hbm4b:s9+s2] =	stream.linear.scatter [tilespmem:s7], [sflag:$0x2], $0x6000, $0x38;
	[tilespmem:$0x6100] =	vst v63  }
0x1d: {  	_ =	swait.ge [sflag:s3], $0x6000  }
0x1e: {  	[sflag:s3] =	ssyncset.done $0x0  }
.LBB2_2:
0x1f: {  	[sflag:s3] =	ssyncadd.s32 $0xFFFFA000  }
0x20: {  	_ =	sfence.sel $0x180000  }
0x21: {  	[bflag:$0x0] =	sbarrier.arrive $0xFFFF  }
0x22: {  	p0 =	sne.s32 s0, $0x0;
	_ =	strace $0x9000004D  }
0x23: {  	s0 =	sadd.s32 @!p0 $0x100000, s1;
	[bflag:$0x2] =	sbarrier.arrive $0xFFFF  }
0x24: {  	[sflag:s0] =	ssyncadd.tile.s32 @!p0 $0x1;
	_ =	shalt  }
.Lfunc_end2:
_tile_overlayer_lowered:
.L_overlay_start_2:
0x25: {  	(tag) =	ssettag $0x2  }
0x26: {  	s0 =	rddreg [dreg:$0x0];
	s2 =	stileid.u32  }
0x27: {  	s1 =	rddreg [dreg:$0x1];
	p0 =	sne.s32 s2, $0x0  }
0x28: {  	s3 =	rddreg [dreg:$0x2];
	[bflag:$0x3] =	sbarrier.arrive $0xFFFF;
	s2 =	simm.s32 @!p0 $0x1C02  }
0x29: {  	[timem:s3], [sflag:s2] =	dma.local @!p0 [hbm:s0], s1  }
0x2a: {  	s0 =	simm.s32 @!p0 $0x2  }
0x2b: {  	_ =	swait.ge @!p0 [sflag:s0], s1  }
0x2c: {  	s1 =	ssub.s32 @!p0 $0x0, s1;
	[sflag:s0] =	ssyncset.done @!p0 $0x0  }
0x2d: {  	[sflag:s0] =	ssyncadd.s32 @!p0 s1  }
0x2e: {  	[bflag:$0x3] =	sbarrier.arrive $0xFFFF  }
0x2f: {  	_ =	shalt  }

// kernel: kernel.9.cloned.1.call-start
scs
__scs_entry_jumppad:
0x0: {  	(pc) =	sbr.rel $0x88, $3  }
0x1: {  	(tag) =	ssettag $0x0;
	lr =	simm.s32 $0x1  }
0x2: {  	[smem:$0x3F85] =	sst lr;
	_ =	strace $0xD0000000  }
0x3: {  	_ = 	snop  }
0x4: {  	_ = 	snop  }
0x5: {  	_ = 	snop  }
0x6: {  	_ = 	snop  }
0x7: {  	_ = 	snop  }
__scs_overlays_trampoline_lowered:
0x8: {  	[smem:$0x3F94] =	sst s0  }
0x9: {  	[smem:$0x3F95] =	sst s1  }
0xa: {  	[smem:$0x3F96] =	sst s2  }
0xb: {  	[smem:$0x3F97] =	sst s3  }
0xc: {  	[smem:$0x3F98] =	sst s4  }
0xd: {  	[smem:$0x3F99] =	sst s5  }
0xe: {  	[smem:$0x3F9A] =	sst s6  }
0xf: {  	[smem:$0x3F9B] =	sst s7  }
0x10: {  	[smem:$0x3F9C] =	sst s8  }
0x11: {  	[smem:$0x3F9D] =	sst s9;
	s0 =	simm.s32 @!p0 $0x0  }
0x12: {  	s1 =	sld [smem:$0x3F83];
	s0 =	simm.s32 @p0 $0x1  }
0x13: {  	[smem:$0x3F9E] =	sst s0;
	s0 =	simm.s32 @!p1 $0x0  }
0x14: {  	s2 =	sld [smem:$0x3F82];
	s0 =	simm.s32 @p1 $0x1  }
0x15: {  	[smem:$0x3F9F] =	sst s0;
	s0 =	simm.s32 @!p2 $0x0  }
0x16: {  	s3 =	sld [smem:$0x3FDB];
	s0 =	simm.s32 @p2 $0x1  }
0x17: {  	s4 =	simm.s32 $0x1BF5;
	[smem:$0x3FA1] =	sst s0  }
0x18: {  	s0 =	sld [smem:$0x3F84];
	_ =	swait.ge [sflag:s4], $0x0  }
0x19: {  	s7 =	sld [smem:$0x3F85]  }
0x1a: {  	s8 =	sadd.s32 $0xFFFFE003, lr  }
0x1b: {  	s9 =	sadd.s32 $0xFFFFFEF7, lr;
	s5 =	simm.s32 $0xFFFFFFFF;
	p2 =	slt.u32 s8, $0xFFFFF086  }
0x1c: {  	p1 =	slt.u32 s9, $0xF7A;
	s5 =	simm.s32 @!p2 $0x0  }
0x1d: {  	s5 =	simm.s32 @p1 $0x1;
	p0 =	seq.s32 s7, s2  }
0x1e: {  	s7 =	smul.u32 @!p0 $0xF7A, s2;
	p2 =	seq.s32 @!p0 s5, $0x0  }
0x1f: {  	s9 =	smul.u32 $0xF7A, s1;
	s8 =	simm.s32 @!p0 $0x1BF5;
	p2 =	por !p2, p0  }
0x20: {  	[sflag:s8] =	ssyncset.s32 @!p0 $0xFFFFF086;
	s6 =	sadd.s32 @!p0 s3, s7;
	s7 =	simm.s32 @!p0 $0x108  }
0x21: {  	s3 =	sadd.s32 s3, s9;
	s6 =	sadd.s32 @!p0 $0x88, s6;
	s7 =	simm.s32 @p2 $0x1082  }
0x22: {  	[simem:s7], [sflag:s8] =	dma.local @!p0 [hbm:s6], $0xF7A  }
0x23: {  	s9 =	sor.u32 $0xD0000000, s2;
	s6 =	simm.s32 $0x108;
	_ =	swait.ge @!p0 [sflag:s8], $0x0  }
0x24: {  	s3 =	sadd.s32 $0x88, s3;
	s6 =	simm.s32 @!p1 $0x1082;
	[sflag:s4] =	ssyncset.s32 $0xFFFFF086  }
0x25: {  	[simem:s6], [sflag:s4] =	dma.local [hbm:s3], $0xF7A  }
0x26: {  	[smem:$0x3F85] =	sst s1;
	(tag) =	ssettag s2;
	_ =	strace s9  }
0x27: {  	s1 =	sld [smem:$0x3F95]  }
0x28: {  	s2 =	sld [smem:$0x3F96]  }
0x29: {  	s4 =	sld [smem:$0x3F98]  }
0x2a: {  	p0 =	seq.s32 s5, $0x0;
	s5 =	sld [smem:$0x3F99]  }
0x2b: {  	s6 =	sld [smem:$0x3F9A]  }
0x2c: {  	s7 =	sld [smem:$0x3F9B]  }
0x2d: {  	s3 =	simm.s32 $0x108;
	s8 =	sld [smem:$0x3F9C]  }
0x2e: {  	s3 =	simm.s32 @!p0 $0x1082;
	s9 =	sld [smem:$0x3F9D]  }
0x2f: {  	lr =	sadd.s32 s0, s3;
	s0 =	sld [smem:$0x3F94]  }
0x30: {  	s3 =	sld [smem:$0x3F97]  }
0x31: {  	[smem:$0x3FA0] =	sst s10  }
0x32: {  	s10 =	sld [smem:$0x3F9E];
	_ =	sdelay $0x3  }
0x33: {  	p0 =	seq.s32 s10, $0x1;
	s10 =	sld [smem:$0x3FA0];
	_ =	sdelay $0x3  }
0x34: {  	[smem:$0x3FA0] =	sst s10  }
0x35: {  	s10 =	sld [smem:$0x3F9F];
	_ =	sdelay $0x3  }
0x36: {  	p1 =	seq.s32 s10, $0x1;
	s10 =	sld [smem:$0x3FA0];
	_ =	sdelay $0x3  }
0x37: {  	[smem:$0x3FA0] =	sst s10  }
0x38: {  	s10 =	sld [smem:$0x3FA1]  }
0x39: {  	_ = 	snop;
	(pc) =	sbr.ind lr, $3  }
0x3a: {  	_ = 	snop  }
0x3b: {  	_ = 	snop  }
0x3c: {  	p2 =	seq.s32 s10, $0x1;
	s10 =	sld [smem:$0x3FA0]  }
0x3d: {  	_ =	shalt  }
0x3e: {  	_ =	shalt  }
0x3f: {  	_ =	shalt  }
0x40: {  	_ =	shalt  }
0x41: {  	_ =	shalt  }
0x42: {  	_ =	shalt  }
0x43: {  	_ =	shalt  }
0x44: {  	_ =	shalt  }
0x45: {  	_ =	shalt  }
0x46: {  	_ =	shalt  }
0x47: {  	_ =	shalt  }
0x48: {  	_ =	shalt  }
0x49: {  	_ =	shalt  }
0x4a: {  	_ =	shalt  }
0x4b: {  	_ =	shalt  }
0x4c: {  	_ =	shalt  }
0x4d: {  	_ =	shalt  }
0x4e: {  	_ =	shalt  }
0x4f: {  	_ =	shalt  }
0x50: {  	_ =	shalt  }
0x51: {  	_ =	shalt  }
0x52: {  	_ =	shalt  }
0x53: {  	_ =	shalt  }
0x54: {  	_ =	shalt  }
0x55: {  	_ =	shalt  }
0x56: {  	_ =	shalt  }
0x57: {  	_ =	shalt  }
0x58: {  	_ =	shalt  }
0x59: {  	_ =	shalt  }
0x5a: {  	_ =	shalt  }
0x5b: {  	_ =	shalt  }
0x5c: {  	_ =	shalt  }
0x5d: {  	_ =	shalt  }
0x5e: {  	_ =	shalt  }
0x5f: {  	_ =	shalt  }
0x60: {  	_ =	shalt  }
0x61: {  	_ =	shalt  }
0x62: {  	_ =	shalt  }
0x63: {  	_ =	shalt  }
0x64: {  	_ =	shalt  }
0x65: {  	_ =	shalt  }
0x66: {  	_ =	shalt  }
0x67: {  	_ =	shalt  }
0x68: {  	_ =	shalt  }
0x69: {  	_ =	shalt  }
0x6a: {  	_ =	shalt  }
0x6b: {  	_ =	shalt  }
0x6c: {  	_ =	shalt  }
0x6d: {  	_ =	shalt  }
0x6e: {  	_ =	shalt  }
0x6f: {  	_ =	shalt  }
0x70: {  	_ =	shalt  }
0x71: {  	_ =	shalt  }
0x72: {  	_ =	shalt  }
0x73: {  	_ =	shalt  }
0x74: {  	_ =	shalt  }
0x75: {  	_ =	shalt  }
0x76: {  	_ =	shalt  }
0x77: {  	_ =	shalt  }
0x78: {  	_ =	shalt  }
0x79: {  	_ =	shalt  }
0x7a: {  	_ =	shalt  }
0x7b: {  	_ =	shalt  }
0x7c: {  	_ =	shalt  }
0x7d: {  	_ =	shalt  }
0x7e: {  	_ =	shalt  }
0x7f: {  	_ =	shalt  }
0x80: {  	_ =	shalt  }
0x81: {  	_ =	shalt  }
0x82: {  	_ =	shalt  }
0x83: {  	_ =	shalt  }
0x84: {  	_ =	shalt  }
0x85: {  	_ =	shalt  }
0x86: {  	_ =	shalt  }
0x87: {  	_ =	shalt  }
.Lfunc_end0:
.L_simem_size_0:
called_computation_lowered:
.L_overlay_start_0:
0x88: {  	s2 =	sld [smem:$0x3FD9]  }
0x89: {  	s3 =	sld [smem:$0x3FFE];
	_ =	sdelay $0x1  }
0x8a: {  	s1 =	srdreg.scid  }
0x8b: {  	s0 =	sand.u32 $0x1, s1  }
0x8c: {  	s17 =	sshll.u32 s0, $0xA;
	s2 =	sadd.s32 s3, s2  }
0x8d: {  	s2 =	sadd.s32 s2, s17  }
0x8e: {  	[smem:$0x3FAC] =	sst s2  }
0x8f: {  	_ = 	snop  }
0x90: {  	s2 =	sld [smem:$0x3FC9]  }
0x91: {  	s18 =	sld [smem:$0x3FD0];
	(tm) =	ssettm $0x1  }
0x92: {  	s4 =	sld [smem:$0x3FFB];
	_ =	sdelay $0x3  }
0x93: {  	_ =	strace s4  }
0x94: {  	s4 =	sld [smem:$0x3FFC];
	_ =	sdelay $0x3  }
0x95: {  	_ =	strace s4  }
0x96: {  	s4 =	sld [smem:$0x3FFD];
	_ =	sdelay $0x3  }
0x97: {  	_ =	strace s4  }
0x98: {  	_ =	strace $0x8FFFFFFF  }
0x99: {  	s19 =	sld [smem:$0x3FDB];
	_ =	sdelay $0x1  }
0x9a: {  	s5 =	simm.s32 $_scs_section_size  }
0x9b: {  	s6 =	simm.s32 $_size__tile_overlayer_lowered;
	s7 =	simm.s32 $_tile_overlayer_lowered  }
0x9c: {  	s22 =	simm.s32 $0x1BFF;
	s21 =	sshll.u32 s7, $0x1;
	s4 =	sadd.s32 s5, s19  }
0x9d: {  	s8 =	simm.s32 $0x0;
	s20 =	sshll.u32 s6, $0x1;
	s6 =	sadd.s32 s21, s4  }
0x9e: {  	[timem:s8], [sflag:s22] =	dma.local [hbm:s6], s20  }
0x9f: {  	_ =	swait.ge [sflag:s22], s20  }
0xa0: {  	s5 =	ssub.s32 $0x0, s20;
	[sflag:s22] =	ssyncset.done $0x0  }
0xa1: {  	[sflag:s22] =	ssyncadd.s32 s5;
	_ =	sdelay $0x1  }
0xa2: {  	s23 =	simm.s32 $0x1B8B  }
0xa3: {  	_ =	swait.ge [sflag:s23], $0x1  }
0xa4: {  	[sflag:s23] =	ssyncset.done $0x0  }
0xa5: {  	s25 =	simm.s32 $0x1B8E;
	s24 =	sld [smem:$0x3FFE];
	[sflag:s23] =	ssyncadd.s32 $0xFFFFFFFF  }
0xa6: {  	s26 =	simm.s32 $execute0_lowered;
	[smem:$0x3FD2] =	sst s25  }
0xa7: {  	s6 =	sshll.u32 s26, $0x1;
	_ =	strace $0x80000046;
	[dreg:$0x1] =	wrdreg $0xFFFFFFFF  }
0xa8: {  	s28 =	simm.s32 $_size_execute0_lowered;
	s4 =	sadd.s32 s4, s6;
	[dreg:$0x0] =	wrdreg $0x0  }
0xa9: {  	s6 =	sshll.u32 s28, $0x1;
	[dreg:$0x2] =	wrdreg s4  }
0xaa: {  	[dreg:$0x3] =	wrdreg s6  }
0xab: {  	[dreg:$0x4] =	wrdreg $0xC0  }
0xac: {  	_ =	task [dreg:s8], $0x5FFFF  }
0xad: {  	[dreg:$0x1] =	wrdreg $0xFFFFFFFF  }
0xae: {  	[dreg:$0x0] =	wrdreg $0x60  }
0xaf: {  	[dreg:$0x2] =	wrdreg s2  }
0xb0: {  	[dreg:$0x3] =	wrdreg s18  }
0xb1: {  	[dreg:$0x4] =	wrdreg s24  }
0xb2: {  	[dreg:$0x5] =	wrdreg $0x9  }
0xb3: {  	_ =	task.clear_ibuf [dreg:s8], $0x6FFFF;
	_ =	strace $0x90000046  }
0xb4: {  	s29 =	simm.s32 $0x9;
	_ =	strace $0x80000048  }
0xb5: {  	_ =	swait.ge [sflag:s29], $0x1  }
0xb6: {  	[sflag:s29] =	ssyncadd.s32 $0xFFFFFFFF  }
0xb7: {  	_ =	strace $0x90000048  }
0xb8: {  	_ =	sfence  }
0xb9: {  	s30 =	sld [smem:$0x0];
	_ =	sdelay $0x2  }
0xba: {  	s31 =	sshll.u32 s1, $0xD;
	s1 =	sshrl.u32 s1, $0x2  }
0xbb: {  	s3 =	sand.u32 $0x4000, s31;
	s1 =	sadd.s32 s1, s30  }
0xbc: {  	s0 =	sor.u32 s3, s0;
	s1 =	sshll.u32 s1, $0x11  }
0xbd: {  	s0 =	sor.u32 s1, s0  }
0xbe: {  	s0 =	sadd.s32 $0x8F2B, s0  }
0xbf: {  	[sflag:s0] =	ssyncadd.remote.s32 $0x1  }
0xc0: {  	_ =	sfence.sel $0xFFFF  }
0xc1: {  	[dreg:$0x0] =	wrdreg $0xFFFFFFFF;
	(pc) =	sbr.abs _section_cstart, $3  }
0xc2: {  	[dreg:$0x1] =	wrdreg $0xFFFFFFFF  }
0xc3: {  	_ =	task.clear_ibuf [dreg:s8], $0x2FFFF;
	_ =	strace $0x9FFFFFFF  }
0xc4: {  	(tm) =	ssettm $0x7FFFFFFF  }
0xc5: {  	_ =	shalt  }
tec
execute0_lowered:
.L_overlay_start_1:
0x0: {  	(tag) =	ssettag $0x1  }
0x1: {  	s1 =	rddreg [dreg:$0x0]  }
0x2: {  	s2 =	srdreg.scid;
	s0 =	stileid.u32  }
0x3: {  	s4 =	rddreg [dreg:$0x1];
	s6 =	sand.u32 $0x1, s2;
	s30 =	sshll.u32 s0, $0x1  }
0x4: {  	s9 =	rddreg [dreg:$0x2];
	s3 =	simm.s32 $0x0;
	s7 =	sor.u32 s6, s30  }
0x5: {  	s8 =	simm.s32 $0x1;
	[smem:$0x7FF] =	sst s3;
	s5 =	smul.u32 $0x18, s7  }
0x6: {  	s2 =	rddreg [dreg:$0x3];
	_ =	strace $0x80000047;
	s11 =	ssub.s32 $0x2, s6  }
0x7: {  	s6 =	simm.s32 $0xC0;
	s5 =	sadd.s32 s4, s5;
	s4 =	simm.s32 $0x2  }
0x8: {  	[tilespmem:s3], [sflag:$0x2] =	stream.linear.gather [hbm4b:s5+s3], $0xC0, $0x38;
	[tilespmem:$0x6100] =	vst v63  }
0x9: {  	s10 =	smul.u32 $0xC00, s7;
	s12 =	sshrl.u32 s11, $0x1;
	_ =	swait.ge [sflag:s4], $0xC0  }
0xa: {  	s7 =	simm.s32 $0x100;
	s31 =	ssub.s32 s11, s12;
	[sflag:s4] =	ssyncset.done $0x0  }
0xb: {  	s9 =	sadd.s32 s10, s9;
	s10 =	smax.u32 s31, $0x1;
	[sflag:s4] =	ssyncadd.s32 $0xFFFFFF40  }
0xc: {  	[tilespmem:s7], [sflag:$0x1] =	stream.indirect.gather [hbm4b:s1+s6], $0x80, s3, s6, $0xb8;
	[tilespmem:$0x6100] =	vst v63  }
0xd: {  	p0 =	sne.s32 s10, $0x1;
	_ =	swait.ge [sflag:s8], $0x6000  }
.Ltmp0:
0xe: {  	[sflag:s8] =	ssyncset.done $0x0;
	(pc) =	sbr.rel @!p0 .LBB2_2-.Ltmp0, $4  }
0xf: {  	s9 =	sadd.s32 $0x5200, s9;
	[sflag:s8] =	ssyncadd.s32 $0xFFFFA000  }
0x10: {  	[hbm4b:s9+s3] =	stream.linear.scatter [tilespmem:s7], [sflag:$0x2], $0x6000, $0x38;
	[tilespmem:$0x6100] =	vst v63  }
0x11: {  	_ =	swait.ge [sflag:s4], $0x6000  }
0x12: {  	s10 =	sadd.s32 $0xFFFFFFFF, s10;
	[sflag:s4] =	ssyncset.done $0x0  }
.LBB2_1:
0x13: {  	p0 =	sne.s32 s10, $0x1;
	s10 =	sadd.s32 $0xFFFFFFFF, s10;
	[sflag:s4] =	ssyncadd.s32 $0xFFFFA000  }
0x14: {  	[tilespmem:s3], [sflag:$0x2] =	stream.linear.gather [hbm4b:s5+s3], $0xC0, $0x38;
	[tilespmem:$0x6100] =	vst v63  }
0x15: {  	_ =	swait.ge [sflag:s4], $0xC0  }
0x16: {  	[sflag:s4] =	ssyncset.done $0x0  }
0x17: {  	[sflag:s4] =	ssyncadd.s32 $0xFFFFFF40  }
0x18: {  	[tilespmem:s7], [sflag:$0x1] =	stream.indirect.gather [hbm4b:s1+s6], $0x80, s3, s6, $0xb8;
	[tilespmem:$0x6100] =	vst v63  }
0x19: {  	_ =	swait.ge [sflag:s8], $0x6000  }
.Ltmp1:
0x1a: {  	[sflag:s8] =	ssyncset.done $0x0;
	(pc) =	sbr.rel @p0 .LBB2_1-.Ltmp1, $4  }
0x1b: {  	[sflag:s8] =	ssyncadd.s32 $0xFFFFA000  }
0x1c: {  	[hbm4b:s9+s3] =	stream.linear.scatter [tilespmem:s7], [sflag:$0x2], $0x6000, $0x38;
	[tilespmem:$0x6100] =	vst v63  }
0x1d: {  	_ =	swait.ge [sflag:s4], $0x6000  }
0x1e: {  	[sflag:s4] =	ssyncset.done $0x0  }
.LBB2_2:
0x1f: {  	[sflag:s4] =	ssyncadd.s32 $0xFFFFA000  }
0x20: {  	_ =	sfence.sel $0x180000  }
0x21: {  	[bflag:$0x0] =	sbarrier.arrive $0xFFFF  }
0x22: {  	p0 =	sne.s32 s0, $0x0;
	_ =	strace $0x90000047  }
0x23: {  	s0 =	sadd.s32 @!p0 $0x100000, s2;
	[bflag:$0x2] =	sbarrier.arrive $0xFFFF  }
0x24: {  	[sflag:s0] =	ssyncadd.tile.s32 @!p0 $0x1;
	_ =	shalt  }
.Lfunc_end2:
_tile_overlayer_lowered:
.L_overlay_start_2:
0x25: {  	(tag) =	ssettag $0x2  }
0x26: {  	s0 =	rddreg [dreg:$0x0];
	s2 =	stileid.u32  }
0x27: {  	s1 =	rddreg [dreg:$0x1];
	p0 =	sne.s32 s2, $0x0  }
0x28: {  	s3 =	rddreg [dreg:$0x2];
	[bflag:$0x3] =	sbarrier.arrive $0xFFFF;
	s2 =	simm.s32 @!p0 $0x1C02  }
0x29: {  	[timem:s3], [sflag:s2] =	dma.local @!p0 [hbm:s0], s1  }
0x2a: {  	s0 =	simm.s32 @!p0 $0x2  }
0x2b: {  	_ =	swait.ge @!p0 [sflag:s0], s1  }
0x2c: {  	s1 =	ssub.s32 @!p0 $0x0, s1;
	[sflag:s0] =	ssyncset.done @!p0 $0x0  }
0x2d: {  	[sflag:s0] =	ssyncadd.s32 @!p0 s1  }
0x2e: {  	[bflag:$0x3] =	sbarrier.arrive $0xFFFF  }
0x2f: {  	_ =	shalt  }

</sc_bundles>
